<compile_context>
chip_gen: v7x
topology: tpu7x:2x2x1
jax: 0.10.2.dev20260603
libtpu: 0.0.44.dev20260713+nightly
codegen_flags: <defaults>
</compile_context>

<pallas_src>
import functools

import jax
import jax.numpy as jnp
from jax import lax
from jax.experimental import pallas as pl
from jax.experimental.pallas import tpu as pltpu
from jax.experimental.pallas import tpu_sc as plsc

B, S, D, P = 16, 2048, 768, 64
_L = 16


_H = P // 2


def _sc_pool(proc_flat, micro_flat, pos_flat):
    mesh = plsc.VectorSubcoreMesh(core_axis_name="c", subcore_axis_name="s")

    @functools.partial(
        pl.kernel,
        out_type=jax.ShapeDtypeStruct((4 * B, D), jnp.float32),
        mesh=mesh,
        scratch_types=[
            pltpu.VMEM((_H,), jnp.int32),
            pltpu.VMEM((2 * _H, D), jnp.float32),
            pltpu.VMEM((2, D), jnp.float32),
            pltpu.SemaphoreType.DMA,
            pltpu.SemaphoreType.DMA,
        ],
    )
    def pool_kernel(proc_hbm, micro_hbm, pos_hbm, out_hbm, idx_v, rows_v, pooled_v,
                    sem, sem2):
        c = lax.axis_index("c")
        s = lax.axis_index("s")
        pltpu.sync_copy(pos_hbm.at[s, pl.ds(c * _H, _H)], idx_v)
        base = s * S
        for k in range(_H // _L):
            idx_v[pl.ds(k * _L, _L)] = idx_v[pl.ds(k * _L, _L)] + base
        cp_p = pltpu.async_copy(proc_hbm.at[idx_v], rows_v.at[0:_H], sem)
        cp_m = pltpu.async_copy(micro_hbm.at[idx_v], rows_v.at[_H:2 * _H], sem2)
        cp_p.wait()
        cp_m.wait()

        NCH = 16

        def group_body(gg, carry):
            off = gg * (_L * NCH)

            def body(r, acc):
                out = []
                for k in range(NCH):
                    out.append(acc[k] + rows_v[r, pl.ds(off + k * _L, _L)])
                for k in range(NCH):
                    out.append(acc[NCH + k] + rows_v[_H + r, pl.ds(off + k * _L, _L)])
                return tuple(out)

            acc0 = tuple(jnp.zeros((_L,), jnp.float32) for _ in range(2 * NCH))
            acc = lax.fori_loop(0, _H, body, acc0)
            for k in range(NCH):
                pooled_v[0, pl.ds(off + k * _L, _L)] = acc[k]
                pooled_v[1, pl.ds(off + k * _L, _L)] = acc[NCH + k]
            return carry

        lax.fori_loop(0, D // (_L * NCH), group_body, 0)
        pltpu.sync_copy(pooled_v.at[0:1], out_hbm.at[pl.ds(c * 2 * B + s, 1)])
        pltpu.sync_copy(pooled_v.at[1:2], out_hbm.at[pl.ds(c * 2 * B + B + s, 1)])

    return pool_kernel(proc_flat, micro_flat, pos_flat)


_DN = (((1,), (1,)), ((), ()))


def _tc_sent_body(proc_ref, phys_ref, micro_ref, w1b_ref, w1c_ref, w2b_ref,
                  b1_ref, b2_ref, y1_ref, y2_ref):
    y1 = lax.dot_general(proc_ref[:, 0, :], w1b_ref[...], _DN,
                         preferred_element_type=jnp.float32)
    y1 = y1 + lax.dot_general(phys_ref[:, 0, :], w1c_ref[...], _DN,
                              preferred_element_type=jnp.float32)
    y1_ref[...] = y1 + b1_ref[...][None, :]
    y2 = lax.dot_general(micro_ref[:, 0, :], w2b_ref[...], _DN,
                         preferred_element_type=jnp.float32)
    y2_ref[...] = y2 + b2_ref[...][None, :]


def _tc_sent(proc3d, phys3d, micro3d, W1, b1, W2, b2):
    z = lambda i: (0, 0)
    z3 = lambda i: (0, 0, 0)
    return pl.pallas_call(
        _tc_sent_body,
        grid=(1,),
        in_specs=[
            pl.BlockSpec((B, 8, D), z3),
            pl.BlockSpec((B, 8, D), z3),
            pl.BlockSpec((B, 8, D), z3),
            pl.BlockSpec((D, D), lambda i: (0, 1)),
            pl.BlockSpec((D, D), lambda i: (0, 2)),
            pl.BlockSpec((D, D), lambda i: (0, 1)),
            pl.BlockSpec((D,), lambda i: (0,)),
            pl.BlockSpec((D,), lambda i: (0,)),
        ],
        out_specs=[pl.BlockSpec((B, D), z), pl.BlockSpec((B, D), z)],
        out_shape=[
            jax.ShapeDtypeStruct((B, D), jnp.float32),
            jax.ShapeDtypeStruct((B, D), jnp.float32),
        ],
    )(proc3d, phys3d, micro3d, W1, W1, W2, b1, b2)


def _tc_final_body(pooled_ref, y1s_ref, y2s_ref, w1a_ref, w2a_ref, o1_ref, o2_ref):
    inv = jnp.float32(1.0 / P)
    pp = (pooled_ref[0:B, :] + pooled_ref[2 * B:3 * B, :]) * inv
    pm = (pooled_ref[B:2 * B, :] + pooled_ref[3 * B:4 * B, :]) * inv
    y1 = y1s_ref[...] + lax.dot_general(pp, w1a_ref[...], _DN,
                                        preferred_element_type=jnp.float32)
    ss1 = jnp.sum(y1 * y1, axis=1, keepdims=True)
    o1_ref[...] = y1 / jnp.maximum(jnp.sqrt(ss1), 1e-12)
    y2 = y2s_ref[...] + lax.dot_general(pm, w2a_ref[...], _DN,
                                        preferred_element_type=jnp.float32)
    ss2 = jnp.sum(y2 * y2, axis=1, keepdims=True)
    o2_ref[...] = y2 / jnp.maximum(jnp.sqrt(ss2), 1e-12)


def _tc_final(pooled, y1s, y2s, W1, W2):
    z = lambda i: (0, 0)
    return pl.pallas_call(
        _tc_final_body,
        grid=(1,),
        in_specs=[
            pl.BlockSpec((4 * B, D), z),
            pl.BlockSpec((B, D), z),
            pl.BlockSpec((B, D), z),
            pl.BlockSpec((D, D), z),
            pl.BlockSpec((D, D), z),
        ],
        out_specs=[pl.BlockSpec((B, D), z), pl.BlockSpec((B, D), z)],
        out_shape=[
            jax.ShapeDtypeStruct((B, D), jnp.float32),
            jax.ShapeDtypeStruct((B, D), jnp.float32),
        ],
    )(pooled, y1s, y2s, W1, W2)


def kernel(physical_features_vec, process_vec, mirco_vec, alloy_pos, W1, b1, W2, b2):
    proc_flat = process_vec.reshape(B * S, D)
    micro_flat = mirco_vec.reshape(B * S, D)
    pooled = _sc_pool(proc_flat, micro_flat, alloy_pos.astype(jnp.int32))
    y1s, y2s = _tc_sent(process_vec, physical_features_vec, mirco_vec, W1,
                        b1, W2, b2)
    o1, o2 = _tc_final(pooled, y1s, y2s, W1, W2)
    return (o1, o2)

# --- scband reference (transcript-rebuilt; emitter-appended) ---
"""Pipeline reference for scband-embeding-layer-39994735460380 (READ-ONLY COPY).

The authoritative reference and input builder live on the scoring server;
editing this copy changes nothing except your own understanding.
"""

import jax, jax.numpy as jnp
import numpy as np


def masked_pool(vec, pos):
    # average of vec[b, pos[b, p]] over positions where pos != -1 (AdaptiveAvgPool1d(1) == mean)
    mask = (pos != -1)
    safe = jnp.where(mask, pos, 0)
    g = jnp.take_along_axis(vec, safe[:, :, None], axis=1)
    s = jnp.sum(g * mask[:, :, None].astype(vec.dtype), axis=1)
    cnt = jnp.maximum(jnp.sum(mask, axis=1, keepdims=True), 1).astype(vec.dtype)
    return s / cnt


def l2norm(x):
    # F.normalize(x, p=2, dim=1)
    n = jnp.linalg.norm(x, axis=1, keepdims=True)
    return x / jnp.maximum(n, 1e-12)


def setup_inputs(seed: int = 0) -> dict:
    key = jax.random.key(seed)
    ks = jax.random.split(key, 8)
    B, S, D, P = 16, 2048, 768, 64
    return {
        "physical_features_vec": jax.random.normal(ks[0], (B, S, D), dtype=jnp.float32),
        "process_vec": jax.random.normal(ks[1], (B, S, D), dtype=jnp.float32),
        "mirco_vec": jax.random.normal(ks[2], (B, S, D), dtype=jnp.float32),
        "alloy_pos": jax.random.randint(ks[3], (B, P), 0, S),
        "W1": jax.random.normal(ks[4], (D, 3 * D), dtype=jnp.float32) * 0.02,
        "b1": jnp.zeros((D,), dtype=jnp.float32),
        "W2": jax.random.normal(ks[5], (D, 2 * D), dtype=jnp.float32) * 0.02,
        "b2": jnp.zeros((D,), dtype=jnp.float32),
    }


def reference(physical_features_vec, process_vec, mirco_vec, alloy_pos, W1, b1, W2, b2):
    physical_features_sentence_vec = physical_features_vec[:, 0, :]
    poolt_alloy_vec_process = masked_pool(process_vec, alloy_pos)
    process_sentence_vec = process_vec[:, 0, :]
    comnied_vec = jnp.concatenate(
        [poolt_alloy_vec_process, process_sentence_vec, physical_features_sentence_vec], axis=1
    )
    comnied_vec_embed = comnied_vec @ W1.T + b1
    normalized_combied_vec = l2norm(comnied_vec_embed)
    poolt_alloy_vec_micro = masked_pool(mirco_vec, alloy_pos)
    micro_sentence_vec = mirco_vec[:, 0, :]
    micro_with_alloy_vec = jnp.concatenate([poolt_alloy_vec_micro, micro_sentence_vec], axis=1)
    micro_vec_embed = micro_with_alloy_vec @ W2.T + b2
    normalized_miroc_vec = l2norm(micro_vec_embed)
    return (normalized_combied_vec, normalized_miroc_vec)

if __name__ == "__main__":
    import jax
    _d = setup_inputs()
    print(jax.jit(kernel)(*tuple(_d.values())))

</pallas_src>

<mosaic_0001>
#map = affine_map<(d0, d1) -> (0, 0)>
module attributes {stable_mosaic.version = 14 : i64} {
  func.func @pool_kernel(%arg0: i32, %arg1: i32, %arg2: memref<32768x768xf32, #tpu.memory_space<hbm>>, %arg3: memref<32768x768xf32, #tpu.memory_space<hbm>>, %arg4: memref<16x64xi32, #tpu.memory_space<hbm>>, %arg5: memref<64x768xf32, #tpu.memory_space<hbm>>, %arg6: memref<32xi32, #tpu.memory_space<vmem>>, %arg7: memref<64x768xf32, #tpu.memory_space<vmem>>, %arg8: memref<2x768xf32, #tpu.memory_space<vmem>>, %arg9: memref<!tpu.dma_semaphore, #tpu.memory_space<semaphore_mem>>, %arg10: memref<!tpu.dma_semaphore, #tpu.memory_space<semaphore_mem>>) attributes {dimension_semantics = [#tpu.dimension_semantics<core_parallel>, #tpu.dimension_semantics<subcore_parallel>], iteration_bounds = array<i64: 2, 16>, scalar_prefetch = 0 : i64, scratch_operands = 5 : i64, tpu.core_type = #tpu.core_type<sc_vector_subcore>, window_params = [{transform_indices = #map}, {transform_indices = #map}, {transform_indices = #map}, {transform_indices = #map}]} {
    %mul3A = arith.constant 32 : i32
    %mul3A_0 = arith.muli %arg0, %mul3A : i32
    "tpu.region"() ({
      %run_scoped3A = tpu.sem_alloc : memref<!tpu.dma_semaphore, #tpu.memory_space<semaphore_mem>>
      %dma_start3A_57 = tpu.memref_slice %arg4[%arg1, %mul3A_0] : memref<16x64xi32, #tpu.memory_space<hbm>> -> memref<1x32xi32, #tpu.memory_space<hbm>>
      %dma_start3A_58 = tpu.memref_squeeze %dma_start3A_57 : memref<1x32xi32, #tpu.memory_space<hbm>> -> memref<32xi32, #tpu.memory_space<hbm>>
      %dma_start3A_59 = tpu.memref_slice %arg4[%arg1, %mul3A_0] : memref<16x64xi32, #tpu.memory_space<hbm>> -> memref<1x32xi32, #tpu.memory_space<hbm>>
      %dma_start3A_60 = tpu.memref_squeeze %dma_start3A_59 : memref<1x32xi32, #tpu.memory_space<hbm>> -> memref<32xi32, #tpu.memory_space<hbm>>
      tpu.enqueue_dma source(%dma_start3A_60 : memref<32xi32, #tpu.memory_space<hbm>>) target(%arg6 : memref<32xi32, #tpu.memory_space<vmem>>) target_semaphore(%run_scoped3A : memref<!tpu.dma_semaphore, #tpu.memory_space<semaphore_mem>>)
      %dma_wait3A_61 = tpu.memref_slice %arg4[%arg1, %mul3A_0] : memref<16x64xi32, #tpu.memory_space<hbm>> -> memref<1x32xi32, #tpu.memory_space<hbm>>
      %dma_wait3A_62 = tpu.memref_squeeze %dma_wait3A_61 : memref<1x32xi32, #tpu.memory_space<hbm>> -> memref<32xi32, #tpu.memory_space<hbm>>
      %dma_wait3A_63 = tpu.memref_slice %arg4[%arg1, %mul3A_0] : memref<16x64xi32, #tpu.memory_space<hbm>> -> memref<1x32xi32, #tpu.memory_space<hbm>>
      %dma_wait3A_64 = tpu.memref_squeeze %dma_wait3A_63 : memref<1x32xi32, #tpu.memory_space<hbm>> -> memref<32xi32, #tpu.memory_space<hbm>>
      tpu.wait_dma2 semaphore(%run_scoped3A : memref<!tpu.dma_semaphore, #tpu.memory_space<semaphore_mem>>) src(%dma_wait3A_64 : memref<32xi32, #tpu.memory_space<hbm>>) dst(%arg6 : memref<32xi32, #tpu.memory_space<vmem>>)
      tpu.yield
    }) : () -> ()
    %mul3A_1 = arith.constant 2048 : i32
    %mul3A_2 = arith.muli %arg1, %mul3A_1 : i32
    %get3A = arith.constant 0 : index
    %get3A_3 = tpu.vector_load %arg6[%get3A] {strides = array<i32>} : memref<32xi32, #tpu.memory_space<vmem>>, vector<16xi32>,
    %get3A_4 = vector.shape_cast %get3A_3 : vector<16xi32> to vector<16xi32>
    %add3A = vector.broadcast %mul3A_2 : i32 to vector<16xi32>
    %add3A_5 = arith.addi %get3A_4, %add3A : vector<16xi32>
    %swap3A = arith.constant 0 : index
    %swap3A_6 = tpu.vector_load %arg6[%swap3A] {strides = array<i32>} : memref<32xi32, #tpu.memory_space<vmem>>, vector<16xi32>,
    %swap3A_7 = vector.shape_cast %swap3A_6 : vector<16xi32> to vector<16xi32>
    %swap3A_8 = vector.shape_cast %add3A_5 : vector<16xi32> to vector<16xi32>
    tpu.vector_store %arg6[%swap3A], %swap3A_8 {strides = array<i32>} : memref<32xi32, #tpu.memory_space<vmem>>, vector<16xi32>,
    %get3A_9 = arith.constant 16 : index
    %get3A_10 = tpu.vector_load %arg6[%get3A_9] {strides = array<i32>} : memref<32xi32, #tpu.memory_space<vmem>>, vector<16xi32>,
    %get3A_11 = vector.shape_cast %get3A_10 : vector<16xi32> to vector<16xi32>
    %add3A_12 = vector.broadcast %mul3A_2 : i32 to vector<16xi32>
    %add3A_13 = arith.addi %get3A_11, %add3A_12 : vector<16xi32>
    %swap3A_14 = arith.constant 16 : index
    %swap3A_15 = tpu.vector_load %arg6[%swap3A_14] {strides = array<i32>} : memref<32xi32, #tpu.memory_space<vmem>>, vector<16xi32>,
    %swap3A_16 = vector.shape_cast %swap3A_15 : vector<16xi32> to vector<16xi32>
    %swap3A_17 = vector.shape_cast %add3A_13 : vector<16xi32> to vector<16xi32>
    tpu.vector_store %arg6[%swap3A_14], %swap3A_17 {strides = array<i32>} : memref<32xi32, #tpu.memory_space<vmem>>, vector<16xi32>,
    %dma_start3A = arith.constant 0 : i32
    %dma_start3A_18 = arith.constant 0 : i32
    %dma_start3A_19 = tpu.memref_slice %arg7[%dma_start3A, %dma_start3A_18] : memref<64x768xf32, #tpu.memory_space<vmem>> -> memref<32x768xf32, #tpu.memory_space<vmem>>
    %dma_start3A_20 = arith.constant 0 : i32
    %dma_start3A_21 = arith.constant 0 : i32
    %dma_start3A_22 = tpu.memref_slice %arg2[%dma_start3A_20, %dma_start3A_21] : memref<32768x768xf32, #tpu.memory_space<hbm>> -> memref<32768x768xf32, #tpu.memory_space<hbm>>
    tpu.enqueue_indirect_dma source(%dma_start3A_22 : memref<32768x768xf32, #tpu.memory_space<hbm>>) target(%dma_start3A_19 : memref<32x768xf32, #tpu.memory_space<vmem>>) offsets(%arg6 : memref<32xi32, #tpu.memory_space<vmem>>) semaphore(%arg9 : memref<!tpu.dma_semaphore, #tpu.memory_space<semaphore_mem>>)
    %dma_start3A_23 = arith.constant 32 : i32
    %dma_start3A_24 = arith.constant 0 : i32
    %dma_start3A_25 = tpu.memref_slice %arg7[%dma_start3A_23, %dma_start3A_24] : memref<64x768xf32, #tpu.memory_space<vmem>> -> memref<32x768xf32, #tpu.memory_space<vmem>>
    %dma_start3A_26 = arith.constant 0 : i32
    %dma_start3A_27 = arith.constant 0 : i32
    %dma_start3A_28 = tpu.memref_slice %arg3[%dma_start3A_26, %dma_start3A_27] : memref<32768x768xf32, #tpu.memory_space<hbm>> -> memref<32768x768xf32, #tpu.memory_space<hbm>>
    tpu.enqueue_indirect_dma source(%dma_start3A_28 : memref<32768x768xf32, #tpu.memory_space<hbm>>) target(%dma_start3A_25 : memref<32x768xf32, #tpu.memory_space<vmem>>) offsets(%arg6 : memref<32xi32, #tpu.memory_space<vmem>>) semaphore(%arg10 : memref<!tpu.dma_semaphore, #tpu.memory_space<semaphore_mem>>)
    %dma_wait3A = arith.constant 0 : i32
    %dma_wait3A_29 = arith.constant 0 : i32
    %dma_wait3A_30 = tpu.memref_slice %arg7[%dma_wait3A, %dma_wait3A_29] : memref<64x768xf32, #tpu.memory_space<vmem>> -> memref<32x768xf32, #tpu.memory_space<vmem>>
    %dma_wait3A_31 = arith.constant 0 : i32
    %dma_wait3A_32 = arith.constant 0 : i32
    %dma_wait3A_33 = tpu.memref_slice %arg2[%dma_wait3A_31, %dma_wait3A_32] : memref<32768x768xf32, #tpu.memory_space<hbm>> -> memref<32768x768xf32, #tpu.memory_space<hbm>>
    tpu.wait_indirect_dma semaphore(%arg9 : memref<!tpu.dma_semaphore, #tpu.memory_space<semaphore_mem>>) src(%dma_wait3A_33 : memref<32768x768xf32, #tpu.memory_space<hbm>>) dst(%dma_wait3A_30 : memref<32x768xf32, #tpu.memory_space<vmem>>)
    %dma_wait3A_34 = arith.constant 32 : i32
    %dma_wait3A_35 = arith.constant 0 : i32
    %dma_wait3A_36 = tpu.memref_slice %arg7[%dma_wait3A_34, %dma_wait3A_35] : memref<64x768xf32, #tpu.memory_space<vmem>> -> memref<32x768xf32, #tpu.memory_space<vmem>>
    %dma_wait3A_37 = arith.constant 0 : i32
    %dma_wait3A_38 = arith.constant 0 : i32
    %dma_wait3A_39 = tpu.memref_slice %arg3[%dma_wait3A_37, %dma_wait3A_38] : memref<32768x768xf32, #tpu.memory_space<hbm>> -> memref<32768x768xf32, #tpu.memory_space<hbm>>
    tpu.wait_indirect_dma semaphore(%arg10 : memref<!tpu.dma_semaphore, #tpu.memory_space<semaphore_mem>>) src(%dma_wait3A_39 : memref<32768x768xf32, #tpu.memory_space<hbm>>) dst(%dma_wait3A_36 : memref<32x768xf32, #tpu.memory_space<vmem>>)
    %scan3A = arith.constant 0 : i32
    %scan3A_40 = arith.constant 0 : i32
    %scan3A_41 = arith.constant 3 : i32
    %scan3A_42 = arith.addi %scan3A_40, %scan3A_41 : i32
    %scan3A_43 = arith.constant 1 : i32
    scf.for %scan3A_57 = %scan3A_40 to %scan3A_42 step %scan3A_43  : i32 {
      %mul3A_58 = arith.constant 256 : i32
      %mul3A_59 = arith.muli %scan3A_57, %mul3A_58 : i32
      %broadcast_in_dim3A = arith.constant 0.000000e+00 : f32
      %broadcast_in_dim3A_60 = vector.broadcast %broadcast_in_dim3A : f32 to vector<16xf32>
      %broadcast_in_dim3A_61 = arith.constant 0.000000e+00 : f32
      %broadcast_in_dim3A_62 = vector.broadcast %broadcast_in_dim3A_61 : f32 to vector<16xf32>
      %broadcast_in_dim3A_63 = arith.constant 0.000000e+00 : f32
      %broadcast_in_dim3A_64 = vector.broadcast %broadcast_in_dim3A_63 : f32 to vector<16xf32>
      %broadcast_in_dim3A_65 = arith.constant 0.000000e+00 : f32
      %broadcast_in_dim3A_66 = vector.broadcast %broadcast_in_dim3A_65 : f32 to vector<16xf32>
      %broadcast_in_dim3A_67 = arith.constant 0.000000e+00 : f32
      %broadcast_in_dim3A_68 = vector.broadcast %broadcast_in_dim3A_67 : f32 to vector<16xf32>
      %broadcast_in_dim3A_69 = arith.constant 0.000000e+00 : f32
      %broadcast_in_dim3A_70 = vector.broadcast %broadcast_in_dim3A_69 : f32 to vector<16xf32>
      %broadcast_in_dim3A_71 = arith.constant 0.000000e+00 : f32
      %broadcast_in_dim3A_72 = vector.broadcast %broadcast_in_dim3A_71 : f32 to vector<16xf32>
      %broadcast_in_dim3A_73 = arith.constant 0.000000e+00 : f32
      %broadcast_in_dim3A_74 = vector.broadcast %broadcast_in_dim3A_73 : f32 to vector<16xf32>
      %broadcast_in_dim3A_75 = arith.constant 0.000000e+00 : f32
      %broadcast_in_dim3A_76 = vector.broadcast %broadcast_in_dim3A_75 : f32 to vector<16xf32>
      %broadcast_in_dim3A_77 = arith.constant 0.000000e+00 : f32
      %broadcast_in_dim3A_78 = vector.broadcast %broadcast_in_dim3A_77 : f32 to vector<16xf32>
      %broadcast_in_dim3A_79 = arith.constant 0.000000e+00 : f32
      %broadcast_in_dim3A_80 = vector.broadcast %broadcast_in_dim3A_79 : f32 to vector<16xf32>
      %broadcast_in_dim3A_81 = arith.constant 0.000000e+00 : f32
      %broadcast_in_dim3A_82 = vector.broadcast %broadcast_in_dim3A_81 : f32 to vector<16xf32>
      %broadcast_in_dim3A_83 = arith.constant 0.000000e+00 : f32
      %broadcast_in_dim3A_84 = vector.broadcast %broadcast_in_dim3A_83 : f32 to vector<16xf32>
      %broadcast_in_dim3A_85 = arith.constant 0.000000e+00 : f32
      %broadcast_in_dim3A_86 = vector.broadcast %broadcast_in_dim3A_85 : f32 to vector<16xf32>
      %broadcast_in_dim3A_87 = arith.constant 0.000000e+00 : f32
      %broadcast_in_dim3A_88 = vector.broadcast %broadcast_in_dim3A_87 : f32 to vector<16xf32>
      %broadcast_in_dim3A_89 = arith.constant 0.000000e+00 : f32
      %broadcast_in_dim3A_90 = vector.broadcast %broadcast_in_dim3A_89 : f32 to vector<16xf32>
      %broadcast_in_dim3A_91 = arith.constant 0.000000e+00 : f32
      %broadcast_in_dim3A_92 = vector.broadcast %broadcast_in_dim3A_91 : f32 to vector<16xf32>
      %broadcast_in_dim3A_93 = arith.constant 0.000000e+00 : f32
      %broadcast_in_dim3A_94 = vector.broadcast %broadcast_in_dim3A_93 : f32 to vector<16xf32>
      %broadcast_in_dim3A_95 = arith.constant 0.000000e+00 : f32
      %broadcast_in_dim3A_96 = vector.broadcast %broadcast_in_dim3A_95 : f32 to vector<16xf32>
      %broadcast_in_dim3A_97 = arith.constant 0.000000e+00 : f32
      %broadcast_in_dim3A_98 = vector.broadcast %broadcast_in_dim3A_97 : f32 to vector<16xf32>
      %broadcast_in_dim3A_99 = arith.constant 0.000000e+00 : f32
      %broadcast_in_dim3A_100 = vector.broadcast %broadcast_in_dim3A_99 : f32 to vector<16xf32>
      %broadcast_in_dim3A_101 = arith.constant 0.000000e+00 : f32
      %broadcast_in_dim3A_102 = vector.broadcast %broadcast_in_dim3A_101 : f32 to vector<16xf32>
      %broadcast_in_dim3A_103 = arith.constant 0.000000e+00 : f32
      %broadcast_in_dim3A_104 = vector.broadcast %broadcast_in_dim3A_103 : f32 to vector<16xf32>
      %broadcast_in_dim3A_105 = arith.constant 0.000000e+00 : f32
      %broadcast_in_dim3A_106 = vector.broadcast %broadcast_in_dim3A_105 : f32 to vector<16xf32>
      %broadcast_in_dim3A_107 = arith.constant 0.000000e+00 : f32
      %broadcast_in_dim3A_108 = vector.broadcast %broadcast_in_dim3A_107 : f32 to vector<16xf32>
      %broadcast_in_dim3A_109 = arith.constant 0.000000e+00 : f32
      %broadcast_in_dim3A_110 = vector.broadcast %broadcast_in_dim3A_109 : f32 to vector<16xf32>
      %broadcast_in_dim3A_111 = arith.constant 0.000000e+00 : f32
      %broadcast_in_dim3A_112 = vector.broadcast %broadcast_in_dim3A_111 : f32 to vector<16xf32>
      %broadcast_in_dim3A_113 = arith.constant 0.000000e+00 : f32
      %broadcast_in_dim3A_114 = vector.broadcast %broadcast_in_dim3A_113 : f32 to vector<16xf32>
      %broadcast_in_dim3A_115 = arith.constant 0.000000e+00 : f32
      %broadcast_in_dim3A_116 = vector.broadcast %broadcast_in_dim3A_115 : f32 to vector<16xf32>
      %broadcast_in_dim3A_117 = arith.constant 0.000000e+00 : f32
      %broadcast_in_dim3A_118 = vector.broadcast %broadcast_in_dim3A_117 : f32 to vector<16xf32>
      %broadcast_in_dim3A_119 = arith.constant 0.000000e+00 : f32
      %broadcast_in_dim3A_120 = vector.broadcast %broadcast_in_dim3A_119 : f32 to vector<16xf32>
      %broadcast_in_dim3A_121 = arith.constant 0.000000e+00 : f32
      %broadcast_in_dim3A_122 = vector.broadcast %broadcast_in_dim3A_121 : f32 to vector<16xf32>
      %scan3A_123 = arith.constant 0 : i32
      %scan3A_124 = arith.constant 32 : i32
      %scan3A_125 = arith.addi %scan3A_123, %scan3A_124 : i32
      %scan3A_126 = arith.constant 1 : i32
      %scan3A_127:32 = scf.for %scan3A_385 = %scan3A_123 to %scan3A_125 step %scan3A_126 iter_args(%scan3A_386 = %broadcast_in_dim3A_60, %scan3A_387 = %broadcast_in_dim3A_62, %scan3A_388 = %broadcast_in_dim3A_64, %scan3A_389 = %broadcast_in_dim3A_66, %scan3A_390 = %broadcast_in_dim3A_68, %scan3A_391 = %broadcast_in_dim3A_70, %scan3A_392 = %broadcast_in_dim3A_72, %scan3A_393 = %broadcast_in_dim3A_74, %scan3A_394 = %broadcast_in_dim3A_76, %scan3A_395 = %broadcast_in_dim3A_78, %scan3A_396 = %broadcast_in_dim3A_80, %scan3A_397 = %broadcast_in_dim3A_82, %scan3A_398 = %broadcast_in_dim3A_84, %scan3A_399 = %broadcast_in_dim3A_86, %scan3A_400 = %broadcast_in_dim3A_88, %scan3A_401 = %broadcast_in_dim3A_90, %scan3A_402 = %broadcast_in_dim3A_92, %scan3A_403 = %broadcast_in_dim3A_94, %scan3A_404 = %broadcast_in_dim3A_96, %scan3A_405 = %broadcast_in_dim3A_98, %scan3A_406 = %broadcast_in_dim3A_100, %scan3A_407 = %broadcast_in_dim3A_102, %scan3A_408 = %broadcast_in_dim3A_104, %scan3A_409 = %broadcast_in_dim3A_106, %scan3A_410 = %broadcast_in_dim3A_108, %scan3A_411 = %broadcast_in_dim3A_110, %scan3A_412 = %broadcast_in_dim3A_112, %scan3A_413 = %broadcast_in_dim3A_114, %scan3A_414 = %broadcast_in_dim3A_116, %scan3A_415 = %broadcast_in_dim3A_118, %scan3A_416 = %broadcast_in_dim3A_120, %scan3A_417 = %broadcast_in_dim3A_122) -> (vector<16xf32>, vector<16xf32>, vector<16xf32>, vector<16xf32>, vector<16xf32>, vector<16xf32>, vector<16xf32>, vector<16xf32>, vector<16xf32>, vector<16xf32>, vector<16xf32>, vector<16xf32>, vector<16xf32>, vector<16xf32>, vector<16xf32>, vector<16xf32>, vector<16xf32>, vector<16xf32>, vector<16xf32>, vector<16xf32>, vector<16xf32>, vector<16xf32>, vector<16xf32>, vector<16xf32>, vector<16xf32>, vector<16xf32>, vector<16xf32>, vector<16xf32>, vector<16xf32>, vector<16xf32>, vector<16xf32>, vector<16xf32>)  : i32 {
        %add3A_418 = arith.constant 0 : i32
        %add3A_419 = arith.addi %mul3A_59, %add3A_418 : i32
        %get3A_420 = arith.index_cast %scan3A_385 : i32 to index
        %get3A_421 = arith.index_cast %add3A_419 : i32 to index
        %get3A_422 = tpu.vector_load %arg7[%get3A_420, %get3A_421] {strides = array<i32>} : memref<64x768xf32, #tpu.memory_space<vmem>>, vector<1x16xf32>,
        %get3A_423 = vector.shape_cast %get3A_422 : vector<1x16xf32> to vector<16xf32>
        %add3A_424 = arith.addf %scan3A_386, %get3A_423 : vector<16xf32>
        %add3A_425 = arith.constant 16 : i32
        %add3A_426 = arith.addi %mul3A_59, %add3A_425 : i32
        %get3A_427 = arith.index_cast %scan3A_385 : i32 to index
        %get3A_428 = arith.index_cast %add3A_426 : i32 to index
        %get3A_429 = tpu.vector_load %arg7[%get3A_427, %get3A_428] {strides = array<i32>} : memref<64x768xf32, #tpu.memory_space<vmem>>, vector<1x16xf32>,
        %get3A_430 = vector.shape_cast %get3A_429 : vector<1x16xf32> to vector<16xf32>
        %add3A_431 = arith.addf %scan3A_387, %get3A_430 : vector<16xf32>
        %add3A_432 = arith.constant 32 : i32
        %add3A_433 = arith.addi %mul3A_59, %add3A_432 : i32
        %get3A_434 = arith.index_cast %scan3A_385 : i32 to index
        %get3A_435 = arith.index_cast %add3A_433 : i32 to index
        %get3A_436 = tpu.vector_load %arg7[%get3A_434, %get3A_435] {strides = array<i32>} : memref<64x768xf32, #tpu.memory_space<vmem>>, vector<1x16xf32>,
        %get3A_437 = vector.shape_cast %get3A_436 : vector<1x16xf32> to vector<16xf32>
        %add3A_438 = arith.addf %scan3A_388, %get3A_437 : vector<16xf32>
        %add3A_439 = arith.constant 48 : i32
        %add3A_440 = arith.addi %mul3A_59, %add3A_439 : i32
        %get3A_441 = arith.index_cast %scan3A_385 : i32 to index
        %get3A_442 = arith.index_cast %add3A_440 : i32 to index
        %get3A_443 = tpu.vector_load %arg7[%get3A_441, %get3A_442] {strides = array<i32>} : memref<64x768xf32, #tpu.memory_space<vmem>>, vector<1x16xf32>,
        %get3A_444 = vector.shape_cast %get3A_443 : vector<1x16xf32> to vector<16xf32>
        %add3A_445 = arith.addf %scan3A_389, %get3A_444 : vector<16xf32>
        %add3A_446 = arith.constant 64 : i32
        %add3A_447 = arith.addi %mul3A_59, %add3A_446 : i32
        %get3A_448 = arith.index_cast %scan3A_385 : i32 to index
        %get3A_449 = arith.index_cast %add3A_447 : i32 to index
        %get3A_450 = tpu.vector_load %arg7[%get3A_448, %get3A_449] {strides = array<i32>} : memref<64x768xf32, #tpu.memory_space<vmem>>, vector<1x16xf32>,
        %get3A_451 = vector.shape_cast %get3A_450 : vector<1x16xf32> to vector<16xf32>
        %add3A_452 = arith.addf %scan3A_390, %get3A_451 : vector<16xf32>
        %add3A_453 = arith.constant 80 : i32
        %add3A_454 = arith.addi %mul3A_59, %add3A_453 : i32
        %get3A_455 = arith.index_cast %scan3A_385 : i32 to index
        %get3A_456 = arith.index_cast %add3A_454 : i32 to index
        %get3A_457 = tpu.vector_load %arg7[%get3A_455, %get3A_456] {strides = array<i32>} : memref<64x768xf32, #tpu.memory_space<vmem>>, vector<1x16xf32>,
        %get3A_458 = vector.shape_cast %get3A_457 : vector<1x16xf32> to vector<16xf32>
        %add3A_459 = arith.addf %scan3A_391, %get3A_458 : vector<16xf32>
        %add3A_460 = arith.constant 96 : i32
        %add3A_461 = arith.addi %mul3A_59, %add3A_460 : i32
        %get3A_462 = arith.index_cast %scan3A_385 : i32 to index
        %get3A_463 = arith.index_cast %add3A_461 : i32 to index
        %get3A_464 = tpu.vector_load %arg7[%get3A_462, %get3A_463] {strides = array<i32>} : memref<64x768xf32, #tpu.memory_space<vmem>>, vector<1x16xf32>,
        %get3A_465 = vector.shape_cast %get3A_464 : vector<1x16xf32> to vector<16xf32>
        %add3A_466 = arith.addf %scan3A_392, %get3A_465 : vector<16xf32>
        %add3A_467 = arith.constant 112 : i32
        %add3A_468 = arith.addi %mul3A_59, %add3A_467 : i32
        %get3A_469 = arith.index_cast %scan3A_385 : i32 to index
        %get3A_470 = arith.index_cast %add3A_468 : i32 to index
        %get3A_471 = tpu.vector_load %arg7[%get3A_469, %get3A_470] {strides = array<i32>} : memref<64x768xf32, #tpu.memory_space<vmem>>, vector<1x16xf32>,
        %get3A_472 = vector.shape_cast %get3A_471 : vector<1x16xf32> to vector<16xf32>
        %add3A_473 = arith.addf %scan3A_393, %get3A_472 : vector<16xf32>
        %add3A_474 = arith.constant 128 : i32
        %add3A_475 = arith.addi %mul3A_59, %add3A_474 : i32
        %get3A_476 = arith.index_cast %scan3A_385 : i32 to index
        %get3A_477 = arith.index_cast %add3A_475 : i32 to index
        %get3A_478 = tpu.vector_load %arg7[%get3A_476, %get3A_477] {strides = array<i32>} : memref<64x768xf32, #tpu.memory_space<vmem>>, vector<1x16xf32>,
        %get3A_479 = vector.shape_cast %get3A_478 : vector<1x16xf32> to vector<16xf32>
        %add3A_480 = arith.addf %scan3A_394, %get3A_479 : vector<16xf32>
        %add3A_481 = arith.constant 144 : i32
        %add3A_482 = arith.addi %mul3A_59, %add3A_481 : i32
        %get3A_483 = arith.index_cast %scan3A_385 : i32 to index
        %get3A_484 = arith.index_cast %add3A_482 : i32 to index
        %get3A_485 = tpu.vector_load %arg7[%get3A_483, %get3A_484] {strides = array<i32>} : memref<64x768xf32, #tpu.memory_space<vmem>>, vector<1x16xf32>,
        %get3A_486 = vector.shape_cast %get3A_485 : vector<1x16xf32> to vector<16xf32>
        %add3A_487 = arith.addf %scan3A_395, %get3A_486 : vector<16xf32>
        %add3A_488 = arith.constant 160 : i32
        %add3A_489 = arith.addi %mul3A_59, %add3A_488 : i32
        %get3A_490 = arith.index_cast %scan3A_385 : i32 to index
        %get3A_491 = arith.index_cast %add3A_489 : i32 to index
        %get3A_492 = tpu.vector_load %arg7[%get3A_490, %get3A_491] {strides = array<i32>} : memref<64x768xf32, #tpu.memory_space<vmem>>, vector<1x16xf32>,
        %get3A_493 = vector.shape_cast %get3A_492 : vector<1x16xf32> to vector<16xf32>
        %add3A_494 = arith.addf %scan3A_396, %get3A_493 : vector<16xf32>
        %add3A_495 = arith.constant 176 : i32
        %add3A_496 = arith.addi %mul3A_59, %add3A_495 : i32
        %get3A_497 = arith.index_cast %scan3A_385 : i32 to index
        %get3A_498 = arith.index_cast %add3A_496 : i32 to index
        %get3A_499 = tpu.vector_load %arg7[%get3A_497, %get3A_498] {strides = array<i32>} : memref<64x768xf32, #tpu.memory_space<vmem>>, vector<1x16xf32>,
        %get3A_500 = vector.shape_cast %get3A_499 : vector<1x16xf32> to vector<16xf32>
        %add3A_501 = arith.addf %scan3A_397, %get3A_500 : vector<16xf32>
        %add3A_502 = arith.constant 192 : i32
        %add3A_503 = arith.addi %mul3A_59, %add3A_502 : i32
        %get3A_504 = arith.index_cast %scan3A_385 : i32 to index
        %get3A_505 = arith.index_cast %add3A_503 : i32 to index
        %get3A_506 = tpu.vector_load %arg7[%get3A_504, %get3A_505] {strides = array<i32>} : memref<64x768xf32, #tpu.memory_space<vmem>>, vector<1x16xf32>,
        %get3A_507 = vector.shape_cast %get3A_506 : vector<1x16xf32> to vector<16xf32>
        %add3A_508 = arith.addf %scan3A_398, %get3A_507 : vector<16xf32>
        %add3A_509 = arith.constant 208 : i32
        %add3A_510 = arith.addi %mul3A_59, %add3A_509 : i32
        %get3A_511 = arith.index_cast %scan3A_385 : i32 to index
        %get3A_512 = arith.index_cast %add3A_510 : i32 to index
        %get3A_513 = tpu.vector_load %arg7[%get3A_511, %get3A_512] {strides = array<i32>} : memref<64x768xf32, #tpu.memory_space<vmem>>, vector<1x16xf32>,
        %get3A_514 = vector.shape_cast %get3A_513 : vector<1x16xf32> to vector<16xf32>
        %add3A_515 = arith.addf %scan3A_399, %get3A_514 : vector<16xf32>
        %add3A_516 = arith.constant 224 : i32
        %add3A_517 = arith.addi %mul3A_59, %add3A_516 : i32
        %get3A_518 = arith.index_cast %scan3A_385 : i32 to index
        %get3A_519 = arith.index_cast %add3A_517 : i32 to index
        %get3A_520 = tpu.vector_load %arg7[%get3A_518, %get3A_519] {strides = array<i32>} : memref<64x768xf32, #tpu.memory_space<vmem>>, vector<1x16xf32>,
        %get3A_521 = vector.shape_cast %get3A_520 : vector<1x16xf32> to vector<16xf32>
        %add3A_522 = arith.addf %scan3A_400, %get3A_521 : vector<16xf32>
        %add3A_523 = arith.constant 240 : i32
        %add3A_524 = arith.addi %mul3A_59, %add3A_523 : i32
        %get3A_525 = arith.index_cast %scan3A_385 : i32 to index
        %get3A_526 = arith.index_cast %add3A_524 : i32 to index
        %get3A_527 = tpu.vector_load %arg7[%get3A_525, %get3A_526] {strides = array<i32>} : memref<64x768xf32, #tpu.memory_space<vmem>>, vector<1x16xf32>,
        %get3A_528 = vector.shape_cast %get3A_527 : vector<1x16xf32> to vector<16xf32>
        %add3A_529 = arith.addf %scan3A_401, %get3A_528 : vector<16xf32>
        %add3A_530 = arith.constant 32 : i32
        %add3A_531 = arith.addi %add3A_530, %scan3A_385 : i32
        %add3A_532 = arith.constant 0 : i32
        %add3A_533 = arith.addi %mul3A_59, %add3A_532 : i32
        %get3A_534 = arith.index_cast %add3A_531 : i32 to index
        %get3A_535 = arith.index_cast %add3A_533 : i32 to index
        %get3A_536 = tpu.vector_load %arg7[%get3A_534, %get3A_535] {strides = array<i32>} : memref<64x768xf32, #tpu.memory_space<vmem>>, vector<1x16xf32>,
        %get3A_537 = vector.shape_cast %get3A_536 : vector<1x16xf32> to vector<16xf32>
        %add3A_538 = arith.addf %scan3A_402, %get3A_537 : vector<16xf32>
        %add3A_539 = arith.constant 32 : i32
        %add3A_540 = arith.addi %add3A_539, %scan3A_385 : i32
        %add3A_541 = arith.constant 16 : i32
        %add3A_542 = arith.addi %mul3A_59, %add3A_541 : i32
        %get3A_543 = arith.index_cast %add3A_540 : i32 to index
        %get3A_544 = arith.index_cast %add3A_542 : i32 to index
        %get3A_545 = tpu.vector_load %arg7[%get3A_543, %get3A_544] {strides = array<i32>} : memref<64x768xf32, #tpu.memory_space<vmem>>, vector<1x16xf32>,
        %get3A_546 = vector.shape_cast %get3A_545 : vector<1x16xf32> to vector<16xf32>
        %add3A_547 = arith.addf %scan3A_403, %get3A_546 : vector<16xf32>
        %add3A_548 = arith.constant 32 : i32
        %add3A_549 = arith.addi %add3A_548, %scan3A_385 : i32
        %add3A_550 = arith.constant 32 : i32
        %add3A_551 = arith.addi %mul3A_59, %add3A_550 : i32
        %get3A_552 = arith.index_cast %add3A_549 : i32 to index
        %get3A_553 = arith.index_cast %add3A_551 : i32 to index
        %get3A_554 = tpu.vector_load %arg7[%get3A_552, %get3A_553] {strides = array<i32>} : memref<64x768xf32, #tpu.memory_space<vmem>>, vector<1x16xf32>,
        %get3A_555 = vector.shape_cast %get3A_554 : vector<1x16xf32> to vector<16xf32>
        %add3A_556 = arith.addf %scan3A_404, %get3A_555 : vector<16xf32>
        %add3A_557 = arith.constant 32 : i32
        %add3A_558 = arith.addi %add3A_557, %scan3A_385 : i32
        %add3A_559 = arith.constant 48 : i32
        %add3A_560 = arith.addi %mul3A_59, %add3A_559 : i32
        %get3A_561 = arith.index_cast %add3A_558 : i32 to index
        %get3A_562 = arith.index_cast %add3A_560 : i32 to index
        %get3A_563 = tpu.vector_load %arg7[%get3A_561, %get3A_562] {strides = array<i32>} : memref<64x768xf32, #tpu.memory_space<vmem>>, vector<1x16xf32>,
        %get3A_564 = vector.shape_cast %get3A_563 : vector<1x16xf32> to vector<16xf32>
        %add3A_565 = arith.addf %scan3A_405, %get3A_564 : vector<16xf32>
        %add3A_566 = arith.constant 32 : i32
        %add3A_567 = arith.addi %add3A_566, %scan3A_385 : i32
        %add3A_568 = arith.constant 64 : i32
        %add3A_569 = arith.addi %mul3A_59, %add3A_568 : i32
        %get3A_570 = arith.index_cast %add3A_567 : i32 to index
        %get3A_571 = arith.index_cast %add3A_569 : i32 to index
        %get3A_572 = tpu.vector_load %arg7[%get3A_570, %get3A_571] {strides = array<i32>} : memref<64x768xf32, #tpu.memory_space<vmem>>, vector<1x16xf32>,
        %get3A_573 = vector.shape_cast %get3A_572 : vector<1x16xf32> to vector<16xf32>
        %add3A_574 = arith.addf %scan3A_406, %get3A_573 : vector<16xf32>
        %add3A_575 = arith.constant 32 : i32
        %add3A_576 = arith.addi %add3A_575, %scan3A_385 : i32
        %add3A_577 = arith.constant 80 : i32
        %add3A_578 = arith.addi %mul3A_59, %add3A_577 : i32
        %get3A_579 = arith.index_cast %add3A_576 : i32 to index
        %get3A_580 = arith.index_cast %add3A_578 : i32 to index
        %get3A_581 = tpu.vector_load %arg7[%get3A_579, %get3A_580] {strides = array<i32>} : memref<64x768xf32, #tpu.memory_space<vmem>>, vector<1x16xf32>,
        %get3A_582 = vector.shape_cast %get3A_581 : vector<1x16xf32> to vector<16xf32>
        %add3A_583 = arith.addf %scan3A_407, %get3A_582 : vector<16xf32>
        %add3A_584 = arith.constant 32 : i32
        %add3A_585 = arith.addi %add3A_584, %scan3A_385 : i32
        %add3A_586 = arith.constant 96 : i32
        %add3A_587 = arith.addi %mul3A_59, %add3A_586 : i32
        %get3A_588 = arith.index_cast %add3A_585 : i32 to index
        %get3A_589 = arith.index_cast %add3A_587 : i32 to index
        %get3A_590 = tpu.vector_load %arg7[%get3A_588, %get3A_589] {strides = array<i32>} : memref<64x768xf32, #tpu.memory_space<vmem>>, vector<1x16xf32>,
        %get3A_591 = vector.shape_cast %get3A_590 : vector<1x16xf32> to vector<16xf32>
        %add3A_592 = arith.addf %scan3A_408, %get3A_591 : vector<16xf32>
        %add3A_593 = arith.constant 32 : i32
        %add3A_594 = arith.addi %add3A_593, %scan3A_385 : i32
        %add3A_595 = arith.constant 112 : i32
        %add3A_596 = arith.addi %mul3A_59, %add3A_595 : i32
        %get3A_597 = arith.index_cast %add3A_594 : i32 to index
        %get3A_598 = arith.index_cast %add3A_596 : i32 to index
        %get3A_599 = tpu.vector_load %arg7[%get3A_597, %get3A_598] {strides = array<i32>} : memref<64x768xf32, #tpu.memory_space<vmem>>, vector<1x16xf32>,
        %get3A_600 = vector.shape_cast %get3A_599 : vector<1x16xf32> to vector<16xf32>
        %add3A_601 = arith.addf %scan3A_409, %get3A_600 : vector<16xf32>
        %add3A_602 = arith.constant 32 : i32
        %add3A_603 = arith.addi %add3A_602, %scan3A_385 : i32
        %add3A_604 = arith.constant 128 : i32
        %add3A_605 = arith.addi %mul3A_59, %add3A_604 : i32
        %get3A_606 = arith.index_cast %add3A_603 : i32 to index
        %get3A_607 = arith.index_cast %add3A_605 : i32 to index
        %get3A_608 = tpu.vector_load %arg7[%get3A_606, %get3A_607] {strides = array<i32>} : memref<64x768xf32, #tpu.memory_space<vmem>>, vector<1x16xf32>,
        %get3A_609 = vector.shape_cast %get3A_608 : vector<1x16xf32> to vector<16xf32>
        %add3A_610 = arith.addf %scan3A_410, %get3A_609 : vector<16xf32>
        %add3A_611 = arith.constant 32 : i32
        %add3A_612 = arith.addi %add3A_611, %scan3A_385 : i32
        %add3A_613 = arith.constant 144 : i32
        %add3A_614 = arith.addi %mul3A_59, %add3A_613 : i32
        %get3A_615 = arith.index_cast %add3A_612 : i32 to index
        %get3A_616 = arith.index_cast %add3A_614 : i32 to index
        %get3A_617 = tpu.vector_load %arg7[%get3A_615, %get3A_616] {strides = array<i32>} : memref<64x768xf32, #tpu.memory_space<vmem>>, vector<1x16xf32>,
        %get3A_618 = vector.shape_cast %get3A_617 : vector<1x16xf32> to vector<16xf32>
        %add3A_619 = arith.addf %scan3A_411, %get3A_618 : vector<16xf32>
        %add3A_620 = arith.constant 32 : i32
        %add3A_621 = arith.addi %add3A_620, %scan3A_385 : i32
        %add3A_622 = arith.constant 160 : i32
        %add3A_623 = arith.addi %mul3A_59, %add3A_622 : i32
        %get3A_624 = arith.index_cast %add3A_621 : i32 to index
        %get3A_625 = arith.index_cast %add3A_623 : i32 to index
        %get3A_626 = tpu.vector_load %arg7[%get3A_624, %get3A_625] {strides = array<i32>} : memref<64x768xf32, #tpu.memory_space<vmem>>, vector<1x16xf32>,
        %get3A_627 = vector.shape_cast %get3A_626 : vector<1x16xf32> to vector<16xf32>
        %add3A_628 = arith.addf %scan3A_412, %get3A_627 : vector<16xf32>
        %add3A_629 = arith.constant 32 : i32
        %add3A_630 = arith.addi %add3A_629, %scan3A_385 : i32
        %add3A_631 = arith.constant 176 : i32
        %add3A_632 = arith.addi %mul3A_59, %add3A_631 : i32
        %get3A_633 = arith.index_cast %add3A_630 : i32 to index
        %get3A_634 = arith.index_cast %add3A_632 : i32 to index
        %get3A_635 = tpu.vector_load %arg7[%get3A_633, %get3A_634] {strides = array<i32>} : memref<64x768xf32, #tpu.memory_space<vmem>>, vector<1x16xf32>,
        %get3A_636 = vector.shape_cast %get3A_635 : vector<1x16xf32> to vector<16xf32>
        %add3A_637 = arith.addf %scan3A_413, %get3A_636 : vector<16xf32>
        %add3A_638 = arith.constant 32 : i32
        %add3A_639 = arith.addi %add3A_638, %scan3A_385 : i32
        %add3A_640 = arith.constant 192 : i32
        %add3A_641 = arith.addi %mul3A_59, %add3A_640 : i32
        %get3A_642 = arith.index_cast %add3A_639 : i32 to index
        %get3A_643 = arith.index_cast %add3A_641 : i32 to index
        %get3A_644 = tpu.vector_load %arg7[%get3A_642, %get3A_643] {strides = array<i32>} : memref<64x768xf32, #tpu.memory_space<vmem>>, vector<1x16xf32>,
        %get3A_645 = vector.shape_cast %get3A_644 : vector<1x16xf32> to vector<16xf32>
        %add3A_646 = arith.addf %scan3A_414, %get3A_645 : vector<16xf32>
        %add3A_647 = arith.constant 32 : i32
        %add3A_648 = arith.addi %add3A_647, %scan3A_385 : i32
        %add3A_649 = arith.constant 208 : i32
        %add3A_650 = arith.addi %mul3A_59, %add3A_649 : i32
        %get3A_651 = arith.index_cast %add3A_648 : i32 to index
        %get3A_652 = arith.index_cast %add3A_650 : i32 to index
        %get3A_653 = tpu.vector_load %arg7[%get3A_651, %get3A_652] {strides = array<i32>} : memref<64x768xf32, #tpu.memory_space<vmem>>, vector<1x16xf32>,
        %get3A_654 = vector.shape_cast %get3A_653 : vector<1x16xf32> to vector<16xf32>
        %add3A_655 = arith.addf %scan3A_415, %get3A_654 : vector<16xf32>
        %add3A_656 = arith.constant 32 : i32
        %add3A_657 = arith.addi %add3A_656, %scan3A_385 : i32
        %add3A_658 = arith.constant 224 : i32
        %add3A_659 = arith.addi %mul3A_59, %add3A_658 : i32
        %get3A_660 = arith.index_cast %add3A_657 : i32 to index
        %get3A_661 = arith.index_cast %add3A_659 : i32 to index
        %get3A_662 = tpu.vector_load %arg7[%get3A_660, %get3A_661] {strides = array<i32>} : memref<64x768xf32, #tpu.memory_space<vmem>>, vector<1x16xf32>,
        %get3A_663 = vector.shape_cast %get3A_662 : vector<1x16xf32> to vector<16xf32>
        %add3A_664 = arith.addf %scan3A_416, %get3A_663 : vector<16xf32>
        %add3A_665 = arith.constant 32 : i32
        %add3A_666 = arith.addi %add3A_665, %scan3A_385 : i32
        %add3A_667 = arith.constant 240 : i32
        %add3A_668 = arith.addi %mul3A_59, %add3A_667 : i32
        %get3A_669 = arith.index_cast %add3A_666 : i32 to index
        %get3A_670 = arith.index_cast %add3A_668 : i32 to index
        %get3A_671 = tpu.vector_load %arg7[%get3A_669, %get3A_670] {strides = array<i32>} : memref<64x768xf32, #tpu.memory_space<vmem>>, vector<1x16xf32>,
        %get3A_672 = vector.shape_cast %get3A_671 : vector<1x16xf32> to vector<16xf32>
        %add3A_673 = arith.addf %scan3A_417, %get3A_672 : vector<16xf32>
        scf.yield %add3A_424, %add3A_431, %add3A_438, %add3A_445, %add3A_452, %add3A_459, %add3A_466, %add3A_473, %add3A_480, %add3A_487, %add3A_494, %add3A_501, %add3A_508, %add3A_515, %add3A_522, %add3A_529, %add3A_538, %add3A_547, %add3A_556, %add3A_565, %add3A_574, %add3A_583, %add3A_592, %add3A_601, %add3A_610, %add3A_619, %add3A_628, %add3A_637, %add3A_646, %add3A_655, %add3A_664, %add3A_673 : vector<16xf32>, vector<16xf32>, vector<16xf32>, vector<16xf32>, vector<16xf32>, vector<16xf32>, vector<16xf32>, vector<16xf32>, vector<16xf32>, vector<16xf32>, vector<16xf32>, vector<16xf32>, vector<16xf32>, vector<16xf32>, vector<16xf32>, vector<16xf32>, vector<16xf32>, vector<16xf32>, vector<16xf32>, vector<16xf32>, vector<16xf32>, vector<16xf32>, vector<16xf32>, vector<16xf32>, vector<16xf32>, vector<16xf32>, vector<16xf32>, vector<16xf32>, vector<16xf32>, vector<16xf32>, vector<16xf32>, vector<16xf32>
      }
      %scan3A_128 = arith.constant 32 : i32
      %add3A_129 = arith.constant 0 : i32
      %add3A_130 = arith.addi %mul3A_59, %add3A_129 : i32
      %swap3A_131 = arith.constant 0 : i32
      %swap3A_132 = arith.index_cast %swap3A_131 : i32 to index
      %swap3A_133 = arith.index_cast %add3A_130 : i32 to index
      %swap3A_134 = tpu.vector_load %arg8[%swap3A_132, %swap3A_133] {strides = array<i32>} : memref<2x768xf32, #tpu.memory_space<vmem>>, vector<1x16xf32>,
      %swap3A_135 = vector.shape_cast %swap3A_134 : vector<1x16xf32> to vector<16xf32>
      %swap3A_136 = vector.shape_cast %scan3A_127#0 : vector<16xf32> to vector<1x16xf32>
      tpu.vector_store %arg8[%swap3A_132, %swap3A_133], %swap3A_136 {strides = array<i32>} : memref<2x768xf32, #tpu.memory_space<vmem>>, vector<1x16xf32>,
      %add3A_137 = arith.constant 0 : i32
      %add3A_138 = arith.addi %mul3A_59, %add3A_137 : i32
      %swap3A_139 = arith.constant 1 : i32
      %swap3A_140 = arith.index_cast %swap3A_139 : i32 to index
      %swap3A_141 = arith.index_cast %add3A_138 : i32 to index
      %swap3A_142 = tpu.vector_load %arg8[%swap3A_140, %swap3A_141] {strides = array<i32>} : memref<2x768xf32, #tpu.memory_space<vmem>>, vector<1x16xf32>,
      %swap3A_143 = vector.shape_cast %swap3A_142 : vector<1x16xf32> to vector<16xf32>
      %swap3A_144 = vector.shape_cast %scan3A_127#16 : vector<16xf32> to vector<1x16xf32>
      tpu.vector_store %arg8[%swap3A_140, %swap3A_141], %swap3A_144 {strides = array<i32>} : memref<2x768xf32, #tpu.memory_space<vmem>>, vector<1x16xf32>,
      %add3A_145 = arith.constant 16 : i32
      %add3A_146 = arith.addi %mul3A_59, %add3A_145 : i32
      %swap3A_147 = arith.constant 0 : i32
      %swap3A_148 = arith.index_cast %swap3A_147 : i32 to index
      %swap3A_149 = arith.index_cast %add3A_146 : i32 to index
      %swap3A_150 = tpu.vector_load %arg8[%swap3A_148, %swap3A_149] {strides = array<i32>} : memref<2x768xf32, #tpu.memory_space<vmem>>, vector<1x16xf32>,
      %swap3A_151 = vector.shape_cast %swap3A_150 : vector<1x16xf32> to vector<16xf32>
      %swap3A_152 = vector.shape_cast %scan3A_127#1 : vector<16xf32> to vector<1x16xf32>
      tpu.vector_store %arg8[%swap3A_148, %swap3A_149], %swap3A_152 {strides = array<i32>} : memref<2x768xf32, #tpu.memory_space<vmem>>, vector<1x16xf32>,
      %add3A_153 = arith.constant 16 : i32
      %add3A_154 = arith.addi %mul3A_59, %add3A_153 : i32
      %swap3A_155 = arith.constant 1 : i32
      %swap3A_156 = arith.index_cast %swap3A_155 : i32 to index
      %swap3A_157 = arith.index_cast %add3A_154 : i32 to index
      %swap3A_158 = tpu.vector_load %arg8[%swap3A_156, %swap3A_157] {strides = array<i32>} : memref<2x768xf32, #tpu.memory_space<vmem>>, vector<1x16xf32>,
      %swap3A_159 = vector.shape_cast %swap3A_158 : vector<1x16xf32> to vector<16xf32>
      %swap3A_160 = vector.shape_cast %scan3A_127#17 : vector<16xf32> to vector<1x16xf32>
      tpu.vector_store %arg8[%swap3A_156, %swap3A_157], %swap3A_160 {strides = array<i32>} : memref<2x768xf32, #tpu.memory_space<vmem>>, vector<1x16xf32>,
      %add3A_161 = arith.constant 32 : i32
      %add3A_162 = arith.addi %mul3A_59, %add3A_161 : i32
      %swap3A_163 = arith.constant 0 : i32
      %swap3A_164 = arith.index_cast %swap3A_163 : i32 to index
      %swap3A_165 = arith.index_cast %add3A_162 : i32 to index
      %swap3A_166 = tpu.vector_load %arg8[%swap3A_164, %swap3A_165] {strides = array<i32>} : memref<2x768xf32, #tpu.memory_space<vmem>>, vector<1x16xf32>,
      %swap3A_167 = vector.shape_cast %swap3A_166 : vector<1x16xf32> to vector<16xf32>
      %swap3A_168 = vector.shape_cast %scan3A_127#2 : vector<16xf32> to vector<1x16xf32>
      tpu.vector_store %arg8[%swap3A_164, %swap3A_165], %swap3A_168 {strides = array<i32>} : memref<2x768xf32, #tpu.memory_space<vmem>>, vector<1x16xf32>,
      %add3A_169 = arith.constant 32 : i32
      %add3A_170 = arith.addi %mul3A_59, %add3A_169 : i32
      %swap3A_171 = arith.constant 1 : i32
      %swap3A_172 = arith.index_cast %swap3A_171 : i32 to index
      %swap3A_173 = arith.index_cast %add3A_170 : i32 to index
      %swap3A_174 = tpu.vector_load %arg8[%swap3A_172, %swap3A_173] {strides = array<i32>} : memref<2x768xf32, #tpu.memory_space<vmem>>, vector<1x16xf32>,
      %swap3A_175 = vector.shape_cast %swap3A_174 : vector<1x16xf32> to vector<16xf32>
      %swap3A_176 = vector.shape_cast %scan3A_127#18 : vector<16xf32> to vector<1x16xf32>
      tpu.vector_store %arg8[%swap3A_172, %swap3A_173], %swap3A_176 {strides = array<i32>} : memref<2x768xf32, #tpu.memory_space<vmem>>, vector<1x16xf32>,
      %add3A_177 = arith.constant 48 : i32
      %add3A_178 = arith.addi %mul3A_59, %add3A_177 : i32
      %swap3A_179 = arith.constant 0 : i32
      %swap3A_180 = arith.index_cast %swap3A_179 : i32 to index
      %swap3A_181 = arith.index_cast %add3A_178 : i32 to index
      %swap3A_182 = tpu.vector_load %arg8[%swap3A_180, %swap3A_181] {strides = array<i32>} : memref<2x768xf32, #tpu.memory_space<vmem>>, vector<1x16xf32>,
      %swap3A_183 = vector.shape_cast %swap3A_182 : vector<1x16xf32> to vector<16xf32>
      %swap3A_184 = vector.shape_cast %scan3A_127#3 : vector<16xf32> to vector<1x16xf32>
      tpu.vector_store %arg8[%swap3A_180, %swap3A_181], %swap3A_184 {strides = array<i32>} : memref<2x768xf32, #tpu.memory_space<vmem>>, vector<1x16xf32>,
      %add3A_185 = arith.constant 48 : i32
      %add3A_186 = arith.addi %mul3A_59, %add3A_185 : i32
      %swap3A_187 = arith.constant 1 : i32
      %swap3A_188 = arith.index_cast %swap3A_187 : i32 to index
      %swap3A_189 = arith.index_cast %add3A_186 : i32 to index
      %swap3A_190 = tpu.vector_load %arg8[%swap3A_188, %swap3A_189] {strides = array<i32>} : memref<2x768xf32, #tpu.memory_space<vmem>>, vector<1x16xf32>,
      %swap3A_191 = vector.shape_cast %swap3A_190 : vector<1x16xf32> to vector<16xf32>
      %swap3A_192 = vector.shape_cast %scan3A_127#19 : vector<16xf32> to vector<1x16xf32>
      tpu.vector_store %arg8[%swap3A_188, %swap3A_189], %swap3A_192 {strides = array<i32>} : memref<2x768xf32, #tpu.memory_space<vmem>>, vector<1x16xf32>,
      %add3A_193 = arith.constant 64 : i32
      %add3A_194 = arith.addi %mul3A_59, %add3A_193 : i32
      %swap3A_195 = arith.constant 0 : i32
      %swap3A_196 = arith.index_cast %swap3A_195 : i32 to index
      %swap3A_197 = arith.index_cast %add3A_194 : i32 to index
      %swap3A_198 = tpu.vector_load %arg8[%swap3A_196, %swap3A_197] {strides = array<i32>} : memref<2x768xf32, #tpu.memory_space<vmem>>, vector<1x16xf32>,
      %swap3A_199 = vector.shape_cast %swap3A_198 : vector<1x16xf32> to vector<16xf32>
      %swap3A_200 = vector.shape_cast %scan3A_127#4 : vector<16xf32> to vector<1x16xf32>
      tpu.vector_store %arg8[%swap3A_196, %swap3A_197], %swap3A_200 {strides = array<i32>} : memref<2x768xf32, #tpu.memory_space<vmem>>, vector<1x16xf32>,
      %add3A_201 = arith.constant 64 : i32
      %add3A_202 = arith.addi %mul3A_59, %add3A_201 : i32
      %swap3A_203 = arith.constant 1 : i32
      %swap3A_204 = arith.index_cast %swap3A_203 : i32 to index
      %swap3A_205 = arith.index_cast %add3A_202 : i32 to index
      %swap3A_206 = tpu.vector_load %arg8[%swap3A_204, %swap3A_205] {strides = array<i32>} : memref<2x768xf32, #tpu.memory_space<vmem>>, vector<1x16xf32>,
      %swap3A_207 = vector.shape_cast %swap3A_206 : vector<1x16xf32> to vector<16xf32>
      %swap3A_208 = vector.shape_cast %scan3A_127#20 : vector<16xf32> to vector<1x16xf32>
      tpu.vector_store %arg8[%swap3A_204, %swap3A_205], %swap3A_208 {strides = array<i32>} : memref<2x768xf32, #tpu.memory_space<vmem>>, vector<1x16xf32>,
      %add3A_209 = arith.constant 80 : i32
      %add3A_210 = arith.addi %mul3A_59, %add3A_209 : i32
      %swap3A_211 = arith.constant 0 : i32
      %swap3A_212 = arith.index_cast %swap3A_211 : i32 to index
      %swap3A_213 = arith.index_cast %add3A_210 : i32 to index
      %swap3A_214 = tpu.vector_load %arg8[%swap3A_212, %swap3A_213] {strides = array<i32>} : memref<2x768xf32, #tpu.memory_space<vmem>>, vector<1x16xf32>,
      %swap3A_215 = vector.shape_cast %swap3A_214 : vector<1x16xf32> to vector<16xf32>
      %swap3A_216 = vector.shape_cast %scan3A_127#5 : vector<16xf32> to vector<1x16xf32>
      tpu.vector_store %arg8[%swap3A_212, %swap3A_213], %swap3A_216 {strides = array<i32>} : memref<2x768xf32, #tpu.memory_space<vmem>>, vector<1x16xf32>,
      %add3A_217 = arith.constant 80 : i32
      %add3A_218 = arith.addi %mul3A_59, %add3A_217 : i32
      %swap3A_219 = arith.constant 1 : i32
      %swap3A_220 = arith.index_cast %swap3A_219 : i32 to index
      %swap3A_221 = arith.index_cast %add3A_218 : i32 to index
      %swap3A_222 = tpu.vector_load %arg8[%swap3A_220, %swap3A_221] {strides = array<i32>} : memref<2x768xf32, #tpu.memory_space<vmem>>, vector<1x16xf32>,
      %swap3A_223 = vector.shape_cast %swap3A_222 : vector<1x16xf32> to vector<16xf32>
      %swap3A_224 = vector.shape_cast %scan3A_127#21 : vector<16xf32> to vector<1x16xf32>
      tpu.vector_store %arg8[%swap3A_220, %swap3A_221], %swap3A_224 {strides = array<i32>} : memref<2x768xf32, #tpu.memory_space<vmem>>, vector<1x16xf32>,
      %add3A_225 = arith.constant 96 : i32
      %add3A_226 = arith.addi %mul3A_59, %add3A_225 : i32
      %swap3A_227 = arith.constant 0 : i32
      %swap3A_228 = arith.index_cast %swap3A_227 : i32 to index
      %swap3A_229 = arith.index_cast %add3A_226 : i32 to index
      %swap3A_230 = tpu.vector_load %arg8[%swap3A_228, %swap3A_229] {strides = array<i32>} : memref<2x768xf32, #tpu.memory_space<vmem>>, vector<1x16xf32>,
      %swap3A_231 = vector.shape_cast %swap3A_230 : vector<1x16xf32> to vector<16xf32>
      %swap3A_232 = vector.shape_cast %scan3A_127#6 : vector<16xf32> to vector<1x16xf32>
      tpu.vector_store %arg8[%swap3A_228, %swap3A_229], %swap3A_232 {strides = array<i32>} : memref<2x768xf32, #tpu.memory_space<vmem>>, vector<1x16xf32>,
      %add3A_233 = arith.constant 96 : i32
      %add3A_234 = arith.addi %mul3A_59, %add3A_233 : i32
      %swap3A_235 = arith.constant 1 : i32
      %swap3A_236 = arith.index_cast %swap3A_235 : i32 to index
      %swap3A_237 = arith.index_cast %add3A_234 : i32 to index
      %swap3A_238 = tpu.vector_load %arg8[%swap3A_236, %swap3A_237] {strides = array<i32>} : memref<2x768xf32, #tpu.memory_space<vmem>>, vector<1x16xf32>,
      %swap3A_239 = vector.shape_cast %swap3A_238 : vector<1x16xf32> to vector<16xf32>
      %swap3A_240 = vector.shape_cast %scan3A_127#22 : vector<16xf32> to vector<1x16xf32>
      tpu.vector_store %arg8[%swap3A_236, %swap3A_237], %swap3A_240 {strides = array<i32>} : memref<2x768xf32, #tpu.memory_space<vmem>>, vector<1x16xf32>,
      %add3A_241 = arith.constant 112 : i32
      %add3A_242 = arith.addi %mul3A_59, %add3A_241 : i32
      %swap3A_243 = arith.constant 0 : i32
      %swap3A_244 = arith.index_cast %swap3A_243 : i32 to index
      %swap3A_245 = arith.index_cast %add3A_242 : i32 to index
      %swap3A_246 = tpu.vector_load %arg8[%swap3A_244, %swap3A_245] {strides = array<i32>} : memref<2x768xf32, #tpu.memory_space<vmem>>, vector<1x16xf32>,
      %swap3A_247 = vector.shape_cast %swap3A_246 : vector<1x16xf32> to vector<16xf32>
      %swap3A_248 = vector.shape_cast %scan3A_127#7 : vector<16xf32> to vector<1x16xf32>
      tpu.vector_store %arg8[%swap3A_244, %swap3A_245], %swap3A_248 {strides = array<i32>} : memref<2x768xf32, #tpu.memory_space<vmem>>, vector<1x16xf32>,
      %add3A_249 = arith.constant 112 : i32
      %add3A_250 = arith.addi %mul3A_59, %add3A_249 : i32
      %swap3A_251 = arith.constant 1 : i32
      %swap3A_252 = arith.index_cast %swap3A_251 : i32 to index
      %swap3A_253 = arith.index_cast %add3A_250 : i32 to index
      %swap3A_254 = tpu.vector_load %arg8[%swap3A_252, %swap3A_253] {strides = array<i32>} : memref<2x768xf32, #tpu.memory_space<vmem>>, vector<1x16xf32>,
      %swap3A_255 = vector.shape_cast %swap3A_254 : vector<1x16xf32> to vector<16xf32>
      %swap3A_256 = vector.shape_cast %scan3A_127#23 : vector<16xf32> to vector<1x16xf32>
      tpu.vector_store %arg8[%swap3A_252, %swap3A_253], %swap3A_256 {strides = array<i32>} : memref<2x768xf32, #tpu.memory_space<vmem>>, vector<1x16xf32>,
      %add3A_257 = arith.constant 128 : i32
      %add3A_258 = arith.addi %mul3A_59, %add3A_257 : i32
      %swap3A_259 = arith.constant 0 : i32
      %swap3A_260 = arith.index_cast %swap3A_259 : i32 to index
      %swap3A_261 = arith.index_cast %add3A_258 : i32 to index
      %swap3A_262 = tpu.vector_load %arg8[%swap3A_260, %swap3A_261] {strides = array<i32>} : memref<2x768xf32, #tpu.memory_space<vmem>>, vector<1x16xf32>,
      %swap3A_263 = vector.shape_cast %swap3A_262 : vector<1x16xf32> to vector<16xf32>
      %swap3A_264 = vector.shape_cast %scan3A_127#8 : vector<16xf32> to vector<1x16xf32>
      tpu.vector_store %arg8[%swap3A_260, %swap3A_261], %swap3A_264 {strides = array<i32>} : memref<2x768xf32, #tpu.memory_space<vmem>>, vector<1x16xf32>,
      %add3A_265 = arith.constant 128 : i32
      %add3A_266 = arith.addi %mul3A_59, %add3A_265 : i32
      %swap3A_267 = arith.constant 1 : i32
      %swap3A_268 = arith.index_cast %swap3A_267 : i32 to index
      %swap3A_269 = arith.index_cast %add3A_266 : i32 to index
      %swap3A_270 = tpu.vector_load %arg8[%swap3A_268, %swap3A_269] {strides = array<i32>} : memref<2x768xf32, #tpu.memory_space<vmem>>, vector<1x16xf32>,
      %swap3A_271 = vector.shape_cast %swap3A_270 : vector<1x16xf32> to vector<16xf32>
      %swap3A_272 = vector.shape_cast %scan3A_127#24 : vector<16xf32> to vector<1x16xf32>
      tpu.vector_store %arg8[%swap3A_268, %swap3A_269], %swap3A_272 {strides = array<i32>} : memref<2x768xf32, #tpu.memory_space<vmem>>, vector<1x16xf32>,
      %add3A_273 = arith.constant 144 : i32
      %add3A_274 = arith.addi %mul3A_59, %add3A_273 : i32
      %swap3A_275 = arith.constant 0 : i32
      %swap3A_276 = arith.index_cast %swap3A_275 : i32 to index
      %swap3A_277 = arith.index_cast %add3A_274 : i32 to index
      %swap3A_278 = tpu.vector_load %arg8[%swap3A_276, %swap3A_277] {strides = array<i32>} : memref<2x768xf32, #tpu.memory_space<vmem>>, vector<1x16xf32>,
      %swap3A_279 = vector.shape_cast %swap3A_278 : vector<1x16xf32> to vector<16xf32>
      %swap3A_280 = vector.shape_cast %scan3A_127#9 : vector<16xf32> to vector<1x16xf32>
      tpu.vector_store %arg8[%swap3A_276, %swap3A_277], %swap3A_280 {strides = array<i32>} : memref<2x768xf32, #tpu.memory_space<vmem>>, vector<1x16xf32>,
      %add3A_281 = arith.constant 144 : i32
      %add3A_282 = arith.addi %mul3A_59, %add3A_281 : i32
      %swap3A_283 = arith.constant 1 : i32
      %swap3A_284 = arith.index_cast %swap3A_283 : i32 to index
      %swap3A_285 = arith.index_cast %add3A_282 : i32 to index
      %swap3A_286 = tpu.vector_load %arg8[%swap3A_284, %swap3A_285] {strides = array<i32>} : memref<2x768xf32, #tpu.memory_space<vmem>>, vector<1x16xf32>,
      %swap3A_287 = vector.shape_cast %swap3A_286 : vector<1x16xf32> to vector<16xf32>
      %swap3A_288 = vector.shape_cast %scan3A_127#25 : vector<16xf32> to vector<1x16xf32>
      tpu.vector_store %arg8[%swap3A_284, %swap3A_285], %swap3A_288 {strides = array<i32>} : memref<2x768xf32, #tpu.memory_space<vmem>>, vector<1x16xf32>,
      %add3A_289 = arith.constant 160 : i32
      %add3A_290 = arith.addi %mul3A_59, %add3A_289 : i32
      %swap3A_291 = arith.constant 0 : i32
      %swap3A_292 = arith.index_cast %swap3A_291 : i32 to index
      %swap3A_293 = arith.index_cast %add3A_290 : i32 to index
      %swap3A_294 = tpu.vector_load %arg8[%swap3A_292, %swap3A_293] {strides = array<i32>} : memref<2x768xf32, #tpu.memory_space<vmem>>, vector<1x16xf32>,
      %swap3A_295 = vector.shape_cast %swap3A_294 : vector<1x16xf32> to vector<16xf32>
      %swap3A_296 = vector.shape_cast %scan3A_127#10 : vector<16xf32> to vector<1x16xf32>
      tpu.vector_store %arg8[%swap3A_292, %swap3A_293], %swap3A_296 {strides = array<i32>} : memref<2x768xf32, #tpu.memory_space<vmem>>, vector<1x16xf32>,
      %add3A_297 = arith.constant 160 : i32
      %add3A_298 = arith.addi %mul3A_59, %add3A_297 : i32
      %swap3A_299 = arith.constant 1 : i32
      %swap3A_300 = arith.index_cast %swap3A_299 : i32 to index
      %swap3A_301 = arith.index_cast %add3A_298 : i32 to index
      %swap3A_302 = tpu.vector_load %arg8[%swap3A_300, %swap3A_301] {strides = array<i32>} : memref<2x768xf32, #tpu.memory_space<vmem>>, vector<1x16xf32>,
      %swap3A_303 = vector.shape_cast %swap3A_302 : vector<1x16xf32> to vector<16xf32>
      %swap3A_304 = vector.shape_cast %scan3A_127#26 : vector<16xf32> to vector<1x16xf32>
      tpu.vector_store %arg8[%swap3A_300, %swap3A_301], %swap3A_304 {strides = array<i32>} : memref<2x768xf32, #tpu.memory_space<vmem>>, vector<1x16xf32>,
      %add3A_305 = arith.constant 176 : i32
      %add3A_306 = arith.addi %mul3A_59, %add3A_305 : i32
      %swap3A_307 = arith.constant 0 : i32
      %swap3A_308 = arith.index_cast %swap3A_307 : i32 to index
      %swap3A_309 = arith.index_cast %add3A_306 : i32 to index
      %swap3A_310 = tpu.vector_load %arg8[%swap3A_308, %swap3A_309] {strides = array<i32>} : memref<2x768xf32, #tpu.memory_space<vmem>>, vector<1x16xf32>,
      %swap3A_311 = vector.shape_cast %swap3A_310 : vector<1x16xf32> to vector<16xf32>
      %swap3A_312 = vector.shape_cast %scan3A_127#11 : vector<16xf32> to vector<1x16xf32>
      tpu.vector_store %arg8[%swap3A_308, %swap3A_309], %swap3A_312 {strides = array<i32>} : memref<2x768xf32, #tpu.memory_space<vmem>>, vector<1x16xf32>,
      %add3A_313 = arith.constant 176 : i32
      %add3A_314 = arith.addi %mul3A_59, %add3A_313 : i32
      %swap3A_315 = arith.constant 1 : i32
      %swap3A_316 = arith.index_cast %swap3A_315 : i32 to index
      %swap3A_317 = arith.index_cast %add3A_314 : i32 to index
      %swap3A_318 = tpu.vector_load %arg8[%swap3A_316, %swap3A_317] {strides = array<i32>} : memref<2x768xf32, #tpu.memory_space<vmem>>, vector<1x16xf32>,
      %swap3A_319 = vector.shape_cast %swap3A_318 : vector<1x16xf32> to vector<16xf32>
      %swap3A_320 = vector.shape_cast %scan3A_127#27 : vector<16xf32> to vector<1x16xf32>
      tpu.vector_store %arg8[%swap3A_316, %swap3A_317], %swap3A_320 {strides = array<i32>} : memref<2x768xf32, #tpu.memory_space<vmem>>, vector<1x16xf32>,
      %add3A_321 = arith.constant 192 : i32
      %add3A_322 = arith.addi %mul3A_59, %add3A_321 : i32
      %swap3A_323 = arith.constant 0 : i32
      %swap3A_324 = arith.index_cast %swap3A_323 : i32 to index
      %swap3A_325 = arith.index_cast %add3A_322 : i32 to index
      %swap3A_326 = tpu.vector_load %arg8[%swap3A_324, %swap3A_325] {strides = array<i32>} : memref<2x768xf32, #tpu.memory_space<vmem>>, vector<1x16xf32>,
      %swap3A_327 = vector.shape_cast %swap3A_326 : vector<1x16xf32> to vector<16xf32>
      %swap3A_328 = vector.shape_cast %scan3A_127#12 : vector<16xf32> to vector<1x16xf32>
      tpu.vector_store %arg8[%swap3A_324, %swap3A_325], %swap3A_328 {strides = array<i32>} : memref<2x768xf32, #tpu.memory_space<vmem>>, vector<1x16xf32>,
      %add3A_329 = arith.constant 192 : i32
      %add3A_330 = arith.addi %mul3A_59, %add3A_329 : i32
      %swap3A_331 = arith.constant 1 : i32
      %swap3A_332 = arith.index_cast %swap3A_331 : i32 to index
      %swap3A_333 = arith.index_cast %add3A_330 : i32 to index
      %swap3A_334 = tpu.vector_load %arg8[%swap3A_332, %swap3A_333] {strides = array<i32>} : memref<2x768xf32, #tpu.memory_space<vmem>>, vector<1x16xf32>,
      %swap3A_335 = vector.shape_cast %swap3A_334 : vector<1x16xf32> to vector<16xf32>
      %swap3A_336 = vector.shape_cast %scan3A_127#28 : vector<16xf32> to vector<1x16xf32>
      tpu.vector_store %arg8[%swap3A_332, %swap3A_333], %swap3A_336 {strides = array<i32>} : memref<2x768xf32, #tpu.memory_space<vmem>>, vector<1x16xf32>,
      %add3A_337 = arith.constant 208 : i32
      %add3A_338 = arith.addi %mul3A_59, %add3A_337 : i32
      %swap3A_339 = arith.constant 0 : i32
      %swap3A_340 = arith.index_cast %swap3A_339 : i32 to index
      %swap3A_341 = arith.index_cast %add3A_338 : i32 to index
      %swap3A_342 = tpu.vector_load %arg8[%swap3A_340, %swap3A_341] {strides = array<i32>} : memref<2x768xf32, #tpu.memory_space<vmem>>, vector<1x16xf32>,
      %swap3A_343 = vector.shape_cast %swap3A_342 : vector<1x16xf32> to vector<16xf32>
      %swap3A_344 = vector.shape_cast %scan3A_127#13 : vector<16xf32> to vector<1x16xf32>
      tpu.vector_store %arg8[%swap3A_340, %swap3A_341], %swap3A_344 {strides = array<i32>} : memref<2x768xf32, #tpu.memory_space<vmem>>, vector<1x16xf32>,
      %add3A_345 = arith.constant 208 : i32
      %add3A_346 = arith.addi %mul3A_59, %add3A_345 : i32
      %swap3A_347 = arith.constant 1 : i32
      %swap3A_348 = arith.index_cast %swap3A_347 : i32 to index
      %swap3A_349 = arith.index_cast %add3A_346 : i32 to index
      %swap3A_350 = tpu.vector_load %arg8[%swap3A_348, %swap3A_349] {strides = array<i32>} : memref<2x768xf32, #tpu.memory_space<vmem>>, vector<1x16xf32>,
      %swap3A_351 = vector.shape_cast %swap3A_350 : vector<1x16xf32> to vector<16xf32>
      %swap3A_352 = vector.shape_cast %scan3A_127#29 : vector<16xf32> to vector<1x16xf32>
      tpu.vector_store %arg8[%swap3A_348, %swap3A_349], %swap3A_352 {strides = array<i32>} : memref<2x768xf32, #tpu.memory_space<vmem>>, vector<1x16xf32>,
      %add3A_353 = arith.constant 224 : i32
      %add3A_354 = arith.addi %mul3A_59, %add3A_353 : i32
      %swap3A_355 = arith.constant 0 : i32
      %swap3A_356 = arith.index_cast %swap3A_355 : i32 to index
      %swap3A_357 = arith.index_cast %add3A_354 : i32 to index
      %swap3A_358 = tpu.vector_load %arg8[%swap3A_356, %swap3A_357] {strides = array<i32>} : memref<2x768xf32, #tpu.memory_space<vmem>>, vector<1x16xf32>,
      %swap3A_359 = vector.shape_cast %swap3A_358 : vector<1x16xf32> to vector<16xf32>
      %swap3A_360 = vector.shape_cast %scan3A_127#14 : vector<16xf32> to vector<1x16xf32>
      tpu.vector_store %arg8[%swap3A_356, %swap3A_357], %swap3A_360 {strides = array<i32>} : memref<2x768xf32, #tpu.memory_space<vmem>>, vector<1x16xf32>,
      %add3A_361 = arith.constant 224 : i32
      %add3A_362 = arith.addi %mul3A_59, %add3A_361 : i32
      %swap3A_363 = arith.constant 1 : i32
      %swap3A_364 = arith.index_cast %swap3A_363 : i32 to index
      %swap3A_365 = arith.index_cast %add3A_362 : i32 to index
      %swap3A_366 = tpu.vector_load %arg8[%swap3A_364, %swap3A_365] {strides = array<i32>} : memref<2x768xf32, #tpu.memory_space<vmem>>, vector<1x16xf32>,
      %swap3A_367 = vector.shape_cast %swap3A_366 : vector<1x16xf32> to vector<16xf32>
      %swap3A_368 = vector.shape_cast %scan3A_127#30 : vector<16xf32> to vector<1x16xf32>
      tpu.vector_store %arg8[%swap3A_364, %swap3A_365], %swap3A_368 {strides = array<i32>} : memref<2x768xf32, #tpu.memory_space<vmem>>, vector<1x16xf32>,
      %add3A_369 = arith.constant 240 : i32
      %add3A_370 = arith.addi %mul3A_59, %add3A_369 : i32
      %swap3A_371 = arith.constant 0 : i32
      %swap3A_372 = arith.index_cast %swap3A_371 : i32 to index
      %swap3A_373 = arith.index_cast %add3A_370 : i32 to index
      %swap3A_374 = tpu.vector_load %arg8[%swap3A_372, %swap3A_373] {strides = array<i32>} : memref<2x768xf32, #tpu.memory_space<vmem>>, vector<1x16xf32>,
      %swap3A_375 = vector.shape_cast %swap3A_374 : vector<1x16xf32> to vector<16xf32>
      %swap3A_376 = vector.shape_cast %scan3A_127#15 : vector<16xf32> to vector<1x16xf32>
      tpu.vector_store %arg8[%swap3A_372, %swap3A_373], %swap3A_376 {strides = array<i32>} : memref<2x768xf32, #tpu.memory_space<vmem>>, vector<1x16xf32>,
      %add3A_377 = arith.constant 240 : i32
      %add3A_378 = arith.addi %mul3A_59, %add3A_377 : i32
      %swap3A_379 = arith.constant 1 : i32
      %swap3A_380 = arith.index_cast %swap3A_379 : i32 to index
      %swap3A_381 = arith.index_cast %add3A_378 : i32 to index
      %swap3A_382 = tpu.vector_load %arg8[%swap3A_380, %swap3A_381] {strides = array<i32>} : memref<2x768xf32, #tpu.memory_space<vmem>>, vector<1x16xf32>,
      %swap3A_383 = vector.shape_cast %swap3A_382 : vector<1x16xf32> to vector<16xf32>
      %swap3A_384 = vector.shape_cast %scan3A_127#31 : vector<16xf32> to vector<1x16xf32>
      tpu.vector_store %arg8[%swap3A_380, %swap3A_381], %swap3A_384 {strides = array<i32>} : memref<2x768xf32, #tpu.memory_space<vmem>>, vector<1x16xf32>,
    }
    %scan3A_44 = arith.constant 3 : i32
    %mul3A_45 = arith.constant 2 : i32
    %mul3A_46 = arith.muli %arg0, %mul3A_45 : i32
    %mul3A_47 = arith.constant 16 : i32
    %mul3A_48 = arith.muli %mul3A_46, %mul3A_47 : i32
    %add3A_49 = arith.addi %mul3A_48, %arg1 : i32
    "tpu.region"() ({
      %run_scoped3A = tpu.sem_alloc : memref<!tpu.dma_semaphore, #tpu.memory_space<semaphore_mem>>
      %dma_start3A_57 = arith.constant 0 : i32
      %dma_start3A_58 = arith.constant 0 : i32
      %dma_start3A_59 = tpu.memref_slice %arg8[%dma_start3A_57, %dma_start3A_58] : memref<2x768xf32, #tpu.memory_space<vmem>> -> memref<1x768xf32, #tpu.memory_space<vmem>>
      %dma_start3A_60 = arith.constant 0 : i32
      %dma_start3A_61 = tpu.memref_slice %arg5[%add3A_49, %dma_start3A_60] : memref<64x768xf32, #tpu.memory_space<hbm>> -> memref<1x768xf32, #tpu.memory_space<hbm>>
      %dma_start3A_62 = arith.constant 0 : i32
      %dma_start3A_63 = tpu.memref_slice %arg5[%add3A_49, %dma_start3A_62] : memref<64x768xf32, #tpu.memory_space<hbm>> -> memref<1x768xf32, #tpu.memory_space<hbm>>
      %dma_start3A_64 = arith.constant 0 : i32
      %dma_start3A_65 = arith.constant 0 : i32
      %dma_start3A_66 = tpu.memref_slice %arg8[%dma_start3A_64, %dma_start3A_65] : memref<2x768xf32, #tpu.memory_space<vmem>> -> memref<1x768xf32, #tpu.memory_space<vmem>>
      tpu.enqueue_dma source(%dma_start3A_66 : memref<1x768xf32, #tpu.memory_space<vmem>>) target(%dma_start3A_63 : memref<1x768xf32, #tpu.memory_space<hbm>>) target_semaphore(%run_scoped3A : memref<!tpu.dma_semaphore, #tpu.memory_space<semaphore_mem>>)
      %dma_wait3A_67 = arith.constant 0 : i32
      %dma_wait3A_68 = arith.constant 0 : i32
      %dma_wait3A_69 = tpu.memref_slice %arg8[%dma_wait3A_67, %dma_wait3A_68] : memref<2x768xf32, #tpu.memory_space<vmem>> -> memref<1x768xf32, #tpu.memory_space<vmem>>
      %dma_wait3A_70 = arith.constant 0 : i32
      %dma_wait3A_71 = tpu.memref_slice %arg5[%add3A_49, %dma_wait3A_70] : memref<64x768xf32, #tpu.memory_space<hbm>> -> memref<1x768xf32, #tpu.memory_space<hbm>>
      %dma_wait3A_72 = arith.constant 0 : i32
      %dma_wait3A_73 = tpu.memref_slice %arg5[%add3A_49, %dma_wait3A_72] : memref<64x768xf32, #tpu.memory_space<hbm>> -> memref<1x768xf32, #tpu.memory_space<hbm>>
      %dma_wait3A_74 = arith.constant 0 : i32
      %dma_wait3A_75 = arith.constant 0 : i32
      %dma_wait3A_76 = tpu.memref_slice %arg8[%dma_wait3A_74, %dma_wait3A_75] : memref<2x768xf32, #tpu.memory_space<vmem>> -> memref<1x768xf32, #tpu.memory_space<vmem>>
      tpu.wait_dma2 semaphore(%run_scoped3A : memref<!tpu.dma_semaphore, #tpu.memory_space<semaphore_mem>>) src(%dma_wait3A_76 : memref<1x768xf32, #tpu.memory_space<vmem>>) dst(%dma_wait3A_73 : memref<1x768xf32, #tpu.memory_space<hbm>>)
      tpu.yield
    }) : () -> ()
    %mul3A_50 = arith.constant 2 : i32
    %mul3A_51 = arith.muli %arg0, %mul3A_50 : i32
    %mul3A_52 = arith.constant 16 : i32
    %mul3A_53 = arith.muli %mul3A_51, %mul3A_52 : i32
    %add3A_54 = arith.constant 16 : i32
    %add3A_55 = arith.addi %mul3A_53, %add3A_54 : i32
    %add3A_56 = arith.addi %add3A_55, %arg1 : i32
    "tpu.region"() ({
      %run_scoped3A = tpu.sem_alloc : memref<!tpu.dma_semaphore, #tpu.memory_space<semaphore_mem>>
      %dma_start3A_57 = arith.constant 1 : i32
      %dma_start3A_58 = arith.constant 0 : i32
      %dma_start3A_59 = tpu.memref_slice %arg8[%dma_start3A_57, %dma_start3A_58] : memref<2x768xf32, #tpu.memory_space<vmem>> -> memref<1x768xf32, #tpu.memory_space<vmem>>
      %dma_start3A_60 = arith.constant 0 : i32
      %dma_start3A_61 = tpu.memref_slice %arg5[%add3A_56, %dma_start3A_60] : memref<64x768xf32, #tpu.memory_space<hbm>> -> memref<1x768xf32, #tpu.memory_space<hbm>>
      %dma_start3A_62 = arith.constant 0 : i32
      %dma_start3A_63 = tpu.memref_slice %arg5[%add3A_56, %dma_start3A_62] : memref<64x768xf32, #tpu.memory_space<hbm>> -> memref<1x768xf32, #tpu.memory_space<hbm>>
      %dma_start3A_64 = arith.constant 1 : i32
      %dma_start3A_65 = arith.constant 0 : i32
      %dma_start3A_66 = tpu.memref_slice %arg8[%dma_start3A_64, %dma_start3A_65] : memref<2x768xf32, #tpu.memory_space<vmem>> -> memref<1x768xf32, #tpu.memory_space<vmem>>
      tpu.enqueue_dma source(%dma_start3A_66 : memref<1x768xf32, #tpu.memory_space<vmem>>) target(%dma_start3A_63 : memref<1x768xf32, #tpu.memory_space<hbm>>) target_semaphore(%run_scoped3A : memref<!tpu.dma_semaphore, #tpu.memory_space<semaphore_mem>>)
      %dma_wait3A_67 = arith.constant 1 : i32
      %dma_wait3A_68 = arith.constant 0 : i32
      %dma_wait3A_69 = tpu.memref_slice %arg8[%dma_wait3A_67, %dma_wait3A_68] : memref<2x768xf32, #tpu.memory_space<vmem>> -> memref<1x768xf32, #tpu.memory_space<vmem>>
      %dma_wait3A_70 = arith.constant 0 : i32
      %dma_wait3A_71 = tpu.memref_slice %arg5[%add3A_56, %dma_wait3A_70] : memref<64x768xf32, #tpu.memory_space<hbm>> -> memref<1x768xf32, #tpu.memory_space<hbm>>
      %dma_wait3A_72 = arith.constant 0 : i32
      %dma_wait3A_73 = tpu.memref_slice %arg5[%add3A_56, %dma_wait3A_72] : memref<64x768xf32, #tpu.memory_space<hbm>> -> memref<1x768xf32, #tpu.memory_space<hbm>>
      %dma_wait3A_74 = arith.constant 1 : i32
      %dma_wait3A_75 = arith.constant 0 : i32
      %dma_wait3A_76 = tpu.memref_slice %arg8[%dma_wait3A_74, %dma_wait3A_75] : memref<2x768xf32, #tpu.memory_space<vmem>> -> memref<1x768xf32, #tpu.memory_space<vmem>>
      tpu.wait_dma2 semaphore(%run_scoped3A : memref<!tpu.dma_semaphore, #tpu.memory_space<semaphore_mem>>) src(%dma_wait3A_76 : memref<1x768xf32, #tpu.memory_space<vmem>>) dst(%dma_wait3A_73 : memref<1x768xf32, #tpu.memory_space<hbm>>)
      tpu.yield
    }) : () -> ()
    return
  }
}

module attributes {stable_mosaic.version = 14 : i64} {
  func.func @_tc_sent_body(%arg0: i32, %arg1: memref<16x8x768xf32, #tpu.memory_space<vmem>>, %arg2: memref<16x8x768xf32, #tpu.memory_space<vmem>>, %arg3: memref<16x8x768xf32, #tpu.memory_space<vmem>>, %arg4: memref<768x768xf32, #tpu.memory_space<vmem>>, %arg5: memref<768x768xf32, #tpu.memory_space<vmem>>, %arg6: memref<768x768xf32, #tpu.memory_space<vmem>>, %arg7: memref<768xf32, #tpu.memory_space<vmem>>, %arg8: memref<768xf32, #tpu.memory_space<vmem>>, %arg9: memref<16x768xf32, #tpu.memory_space<vmem>>, %arg10: memref<16x768xf32, #tpu.memory_space<vmem>>) attributes {dimension_semantics = [#tpu.dimension_semantics<arbitrary>], iteration_bounds = array<i64: 1>, scalar_prefetch = 0 : i64, scratch_operands = 0 : i64, tpu.core_type = #tpu.core_type<tc>, window_params = [{transform_indices = @transform_0, window_bounds = array<i64: 16, 8, 768>}, {transform_indices = @transform_1, window_bounds = array<i64: 16, 8, 768>}, {transform_indices = @transform_2, window_bounds = array<i64: 16, 8, 768>}, {transform_indices = @transform_3, window_bounds = array<i64: 768, 768>}, {transform_indices = @transform_4, window_bounds = array<i64: 768, 768>}, {transform_indices = @transform_5, window_bounds = array<i64: 768, 768>}, {pipeline_mode = #tpu.pipeline_mode<synchronous>, transform_indices = @transform_6, window_bounds = array<i64: 768>}, {pipeline_mode = #tpu.pipeline_mode<synchronous>, transform_indices = @transform_7, window_bounds = array<i64: 768>}, {pipeline_mode = #tpu.pipeline_mode<synchronous>, transform_indices = @transform_8, window_bounds = array<i64: 16, 768>}, {pipeline_mode = #tpu.pipeline_mode<synchronous>, transform_indices = @transform_9, window_bounds = array<i64: 16, 768>}]} {
    %get3A = arith.constant 0 : index
    %get3A_0 = arith.constant 0 : index
    %get3A_1 = arith.constant 0 : index
    %get3A_2 = vector.load %arg1[%get3A, %get3A_0, %get3A_1] : memref<16x8x768xf32, #tpu.memory_space<vmem>>, vector<16x1x768xf32>
    %get3A_3 = vector.shape_cast %get3A_2 : vector<16x1x768xf32> to vector<16x768xf32>
    %get3A_4 = arith.constant 0 : index
    %get3A_5 = arith.constant 0 : index
    %get3A_6 = vector.load %arg4[%get3A_4, %get3A_5] : memref<768x768xf32, #tpu.memory_space<vmem>>, vector<768x768xf32>
    %dot_general3A = arith.constant dense<0.000000e+00> : vector<16x768xf32>
    %dot_general3A_7 = tpu.matmul %get3A_3, %get3A_6, %dot_general3A {dimension_numbers = #tpu.dot_dimension_numbers<[1], [1], [0], [0], [0, 0, 1, 0], [], []>, transpose_lhs_hint = false} : vector<16x768xf32>, vector<768x768xf32>, vector<16x768xf32> -> vector<16x768xf32>
    %get3A_8 = arith.constant 0 : index
    %get3A_9 = arith.constant 0 : index
    %get3A_10 = arith.constant 0 : index
    %get3A_11 = vector.load %arg2[%get3A_8, %get3A_9, %get3A_10] : memref<16x8x768xf32, #tpu.memory_space<vmem>>, vector<16x1x768xf32>
    %get3A_12 = vector.shape_cast %get3A_11 : vector<16x1x768xf32> to vector<16x768xf32>
    %get3A_13 = arith.constant 0 : index
    %get3A_14 = arith.constant 0 : index
    %get3A_15 = vector.load %arg5[%get3A_13, %get3A_14] : memref<768x768xf32, #tpu.memory_space<vmem>>, vector<768x768xf32>
    %dot_general3A_16 = arith.constant dense<0.000000e+00> : vector<16x768xf32>
    %dot_general3A_17 = tpu.matmul %get3A_12, %get3A_15, %dot_general3A_16 {dimension_numbers = #tpu.dot_dimension_numbers<[1], [1], [0], [0], [0, 0, 1, 0], [], []>, transpose_lhs_hint = false} : vector<16x768xf32>, vector<768x768xf32>, vector<16x768xf32> -> vector<16x768xf32>
    %add3A = arith.addf %dot_general3A_7, %dot_general3A_17 : vector<16x768xf32>
    %get3A_18 = arith.constant 0 : index
    %get3A_19 = vector.load %arg7[%get3A_18] : memref<768xf32, #tpu.memory_space<vmem>>, vector<768xf32>
    %broadcast_in_dim3A = vector.shape_cast %get3A_19 : vector<768xf32> to vector<1x768xf32>
    %add3A_20 = vector.broadcast %broadcast_in_dim3A : vector<1x768xf32> to vector<16x768xf32>
    %add3A_21 = arith.addf %add3A, %add3A_20 : vector<16x768xf32>
    %swap3A = arith.constant 0 : index
    %swap3A_22 = arith.constant 0 : index
    %swap3A_23 = vector.load %arg9[%swap3A, %swap3A_22] : memref<16x768xf32, #tpu.memory_space<vmem>>, vector<16x768xf32>
    tpu.vector_store %arg9[%swap3A, %swap3A_22], %add3A_21 {strides = array<i32>} : memref<16x768xf32, #tpu.memory_space<vmem>>, vector<16x768xf32>,
    %get3A_24 = arith.constant 0 : index
    %get3A_25 = arith.constant 0 : index
    %get3A_26 = arith.constant 0 : index
    %get3A_27 = vector.load %arg3[%get3A_24, %get3A_25, %get3A_26] : memref<16x8x768xf32, #tpu.memory_space<vmem>>, vector<16x1x768xf32>
    %get3A_28 = vector.shape_cast %get3A_27 : vector<16x1x768xf32> to vector<16x768xf32>
    %get3A_29 = arith.constant 0 : index
    %get3A_30 = arith.constant 0 : index
    %get3A_31 = vector.load %arg6[%get3A_29, %get3A_30] : memref<768x768xf32, #tpu.memory_space<vmem>>, vector<768x768xf32>
    %dot_general3A_32 = arith.constant dense<0.000000e+00> : vector<16x768xf32>
    %dot_general3A_33 = tpu.matmul %get3A_28, %get3A_31, %dot_general3A_32 {dimension_numbers = #tpu.dot_dimension_numbers<[1], [1], [0], [0], [0, 0, 1, 0], [], []>, transpose_lhs_hint = false} : vector<16x768xf32>, vector<768x768xf32>, vector<16x768xf32> -> vector<16x768xf32>
    %get3A_34 = arith.constant 0 : index
    %get3A_35 = vector.load %arg8[%get3A_34] : memref<768xf32, #tpu.memory_space<vmem>>, vector<768xf32>
    %broadcast_in_dim3A_36 = vector.shape_cast %get3A_35 : vector<768xf32> to vector<1x768xf32>
    %add3A_37 = vector.broadcast %broadcast_in_dim3A_36 : vector<1x768xf32> to vector<16x768xf32>
    %add3A_38 = arith.addf %dot_general3A_33, %add3A_37 : vector<16x768xf32>
    %swap3A_39 = arith.constant 0 : index
    %swap3A_40 = arith.constant 0 : index
    %swap3A_41 = vector.load %arg10[%swap3A_39, %swap3A_40] : memref<16x768xf32, #tpu.memory_space<vmem>>, vector<16x768xf32>
    tpu.vector_store %arg10[%swap3A_39, %swap3A_40], %add3A_38 {strides = array<i32>} : memref<16x768xf32, #tpu.memory_space<vmem>>, vector<16x768xf32>,
    return
  }
  func.func @transform_0(%arg0: i32) -> (i32, i32, i32) {
    %c0_i32 = arith.constant 0 : i32
    %c0_i32_0 = arith.constant 0 : i32
    %c0_i32_1 = arith.constant 0 : i32
    %c0_i32_2 = arith.constant 0 : i32
    return %c0_i32, %c0_i32_0, %c0_i32_1 : i32, i32, i32
  }
  func.func @transform_1(%arg0: i32) -> (i32, i32, i32) {
    %c0_i32 = arith.constant 0 : i32
    %c0_i32_0 = arith.constant 0 : i32
    %c0_i32_1 = arith.constant 0 : i32
    %c0_i32_2 = arith.constant 0 : i32
    return %c0_i32, %c0_i32_0, %c0_i32_1 : i32, i32, i32
  }
  func.func @transform_2(%arg0: i32) -> (i32, i32, i32) {
    %c0_i32 = arith.constant 0 : i32
    %c0_i32_0 = arith.constant 0 : i32
    %c0_i32_1 = arith.constant 0 : i32
    %c0_i32_2 = arith.constant 0 : i32
    return %c0_i32, %c0_i32_0, %c0_i32_1 : i32, i32, i32
  }
  func.func @transform_3(%arg0: i32) -> (i32, i32) {
    %c0_i32 = arith.constant 0 : i32
    %c1_i32 = arith.constant 1 : i32
    %c0_i32_0 = arith.constant 0 : i32
    return %c0_i32, %c1_i32 : i32, i32
  }
  func.func @transform_4(%arg0: i32) -> (i32, i32) {
    %c0_i32 = arith.constant 0 : i32
    %c2_i32 = arith.constant 2 : i32
    %c0_i32_0 = arith.constant 0 : i32
    return %c0_i32, %c2_i32 : i32, i32
  }
  func.func @transform_5(%arg0: i32) -> (i32, i32) {
    %c0_i32 = arith.constant 0 : i32
    %c1_i32 = arith.constant 1 : i32
    %c0_i32_0 = arith.constant 0 : i32
    return %c0_i32, %c1_i32 : i32, i32
  }
  func.func @transform_6(%arg0: i32) -> i32 {
    %c0_i32 = arith.constant 0 : i32
    %c0_i32_0 = arith.constant 0 : i32
    return %c0_i32 : i32
  }
  func.func @transform_7(%arg0: i32) -> i32 {
    %c0_i32 = arith.constant 0 : i32
    %c0_i32_0 = arith.constant 0 : i32
    return %c0_i32 : i32
  }
  func.func @transform_8(%arg0: i32) -> (i32, i32) {
    %c0_i32 = arith.constant 0 : i32
    %c0_i32_0 = arith.constant 0 : i32
    %c0_i32_1 = arith.constant 0 : i32
    return %c0_i32, %c0_i32_0 : i32, i32
  }
  func.func @transform_9(%arg0: i32) -> (i32, i32) {
    %c0_i32 = arith.constant 0 : i32
    %c0_i32_0 = arith.constant 0 : i32
    %c0_i32_1 = arith.constant 0 : i32
    return %c0_i32, %c0_i32_0 : i32, i32
  }
}

module attributes {stable_mosaic.version = 14 : i64} {
  func.func @_tc_final_body(%arg0: i32, %arg1: memref<64x768xf32, #tpu.memory_space<vmem>>, %arg2: memref<16x768xf32, #tpu.memory_space<vmem>>, %arg3: memref<16x768xf32, #tpu.memory_space<vmem>>, %arg4: memref<768x768xf32, #tpu.memory_space<vmem>>, %arg5: memref<768x768xf32, #tpu.memory_space<vmem>>, %arg6: memref<16x768xf32, #tpu.memory_space<vmem>>, %arg7: memref<16x768xf32, #tpu.memory_space<vmem>>) attributes {dimension_semantics = [#tpu.dimension_semantics<arbitrary>], iteration_bounds = array<i64: 1>, scalar_prefetch = 0 : i64, scratch_operands = 0 : i64, tpu.core_type = #tpu.core_type<tc>, window_params = [{pipeline_mode = #tpu.pipeline_mode<synchronous>, transform_indices = @transform_0, window_bounds = array<i64: 64, 768>}, {pipeline_mode = #tpu.pipeline_mode<synchronous>, transform_indices = @transform_1, window_bounds = array<i64: 16, 768>}, {pipeline_mode = #tpu.pipeline_mode<synchronous>, transform_indices = @transform_2, window_bounds = array<i64: 16, 768>}, {transform_indices = @transform_3, window_bounds = array<i64: 768, 768>}, {transform_indices = @transform_4, window_bounds = array<i64: 768, 768>}, {pipeline_mode = #tpu.pipeline_mode<synchronous>, transform_indices = @transform_5, window_bounds = array<i64: 16, 768>}, {pipeline_mode = #tpu.pipeline_mode<synchronous>, transform_indices = @transform_6, window_bounds = array<i64: 16, 768>}]} {
    %get3A = arith.constant 0 : index
    %get3A_0 = arith.constant 0 : index
    %get3A_1 = vector.load %arg1[%get3A, %get3A_0] : memref<64x768xf32, #tpu.memory_space<vmem>>, vector<16x768xf32>
    %get3A_2 = arith.constant 32 : index
    %get3A_3 = arith.constant 0 : index
    %get3A_4 = vector.load %arg1[%get3A_2, %get3A_3] : memref<64x768xf32, #tpu.memory_space<vmem>>, vector<16x768xf32>
    %add3A = arith.addf %get3A_1, %get3A_4 : vector<16x768xf32>
    %mul3A = arith.constant 1.562500e-02 : f32
    %mul3A_5 = vector.broadcast %mul3A : f32 to vector<16x768xf32>
    %mul3A_6 = arith.mulf %add3A, %mul3A_5 : vector<16x768xf32>
    %get3A_7 = arith.constant 16 : index
    %get3A_8 = arith.constant 0 : index
    %get3A_9 = vector.load %arg1[%get3A_7, %get3A_8] : memref<64x768xf32, #tpu.memory_space<vmem>>, vector<16x768xf32>
    %get3A_10 = arith.constant 48 : index
    %get3A_11 = arith.constant 0 : index
    %get3A_12 = vector.load %arg1[%get3A_10, %get3A_11] : memref<64x768xf32, #tpu.memory_space<vmem>>, vector<16x768xf32>
    %add3A_13 = arith.addf %get3A_9, %get3A_12 : vector<16x768xf32>
    %mul3A_14 = arith.constant 1.562500e-02 : f32
    %mul3A_15 = vector.broadcast %mul3A_14 : f32 to vector<16x768xf32>
    %mul3A_16 = arith.mulf %add3A_13, %mul3A_15 : vector<16x768xf32>
    %get3A_17 = arith.constant 0 : index
    %get3A_18 = arith.constant 0 : index
    %get3A_19 = vector.load %arg2[%get3A_17, %get3A_18] : memref<16x768xf32, #tpu.memory_space<vmem>>, vector<16x768xf32>
    %get3A_20 = arith.constant 0 : index
    %get3A_21 = arith.constant 0 : index
    %get3A_22 = vector.load %arg4[%get3A_20, %get3A_21] : memref<768x768xf32, #tpu.memory_space<vmem>>, vector<768x768xf32>
    %dot_general3A = arith.constant dense<0.000000e+00> : vector<16x768xf32>
    %dot_general3A_23 = tpu.matmul %mul3A_6, %get3A_22, %dot_general3A {dimension_numbers = #tpu.dot_dimension_numbers<[1], [1], [0], [0], [0, 0, 1, 0], [], []>, transpose_lhs_hint = false} : vector<16x768xf32>, vector<768x768xf32>, vector<16x768xf32> -> vector<16x768xf32>
    %add3A_24 = arith.addf %get3A_19, %dot_general3A_23 : vector<16x768xf32>
    %mul3A_25 = arith.mulf %add3A_24, %add3A_24 : vector<16x768xf32>
    %reduce_sum3A = arith.constant dense<0.000000e+00> : vector<16xf32>
    %reduce_sum3A_26 = vector.multi_reduction <add>, %mul3A_25, %reduce_sum3A [1] : vector<16x768xf32> to vector<16xf32>
    %broadcast_in_dim3A = vector.shape_cast %reduce_sum3A_26 : vector<16xf32> to vector<16x1xf32>
    %sqrt3A = math.sqrt %broadcast_in_dim3A : vector<16x1xf32>
    %max3A = arith.constant 9.99999996E-13 : f32
    %max3A_27 = vector.broadcast %max3A : f32 to vector<16x1xf32>
    %max3A_28 = arith.maximumf %sqrt3A, %max3A_27 : vector<16x1xf32>
    %div3A = vector.broadcast %max3A_28 : vector<16x1xf32> to vector<16x768xf32>
    %div3A_29 = arith.divf %add3A_24, %div3A : vector<16x768xf32>
    %swap3A = arith.constant 0 : index
    %swap3A_30 = arith.constant 0 : index
    %swap3A_31 = vector.load %arg6[%swap3A, %swap3A_30] : memref<16x768xf32, #tpu.memory_space<vmem>>, vector<16x768xf32>
    tpu.vector_store %arg6[%swap3A, %swap3A_30], %div3A_29 {strides = array<i32>} : memref<16x768xf32, #tpu.memory_space<vmem>>, vector<16x768xf32>,
    %get3A_32 = arith.constant 0 : index
    %get3A_33 = arith.constant 0 : index
    %get3A_34 = vector.load %arg3[%get3A_32, %get3A_33] : memref<16x768xf32, #tpu.memory_space<vmem>>, vector<16x768xf32>
    %get3A_35 = arith.constant 0 : index
    %get3A_36 = arith.constant 0 : index
    %get3A_37 = vector.load %arg5[%get3A_35, %get3A_36] : memref<768x768xf32, #tpu.memory_space<vmem>>, vector<768x768xf32>
    %dot_general3A_38 = arith.constant dense<0.000000e+00> : vector<16x768xf32>
    %dot_general3A_39 = tpu.matmul %mul3A_16, %get3A_37, %dot_general3A_38 {dimension_numbers = #tpu.dot_dimension_numbers<[1], [1], [0], [0], [0, 0, 1, 0], [], []>, transpose_lhs_hint = false} : vector<16x768xf32>, vector<768x768xf32>, vector<16x768xf32> -> vector<16x768xf32>
    %add3A_40 = arith.addf %get3A_34, %dot_general3A_39 : vector<16x768xf32>
    %mul3A_41 = arith.mulf %add3A_40, %add3A_40 : vector<16x768xf32>
    %reduce_sum3A_42 = arith.constant dense<0.000000e+00> : vector<16xf32>
    %reduce_sum3A_43 = vector.multi_reduction <add>, %mul3A_41, %reduce_sum3A_42 [1] : vector<16x768xf32> to vector<16xf32>
    %broadcast_in_dim3A_44 = vector.shape_cast %reduce_sum3A_43 : vector<16xf32> to vector<16x1xf32>
    %sqrt3A_45 = math.sqrt %broadcast_in_dim3A_44 : vector<16x1xf32>
    %max3A_46 = arith.constant 9.99999996E-13 : f32
    %max3A_47 = vector.broadcast %max3A_46 : f32 to vector<16x1xf32>
    %max3A_48 = arith.maximumf %sqrt3A_45, %max3A_47 : vector<16x1xf32>
    %div3A_49 = vector.broadcast %max3A_48 : vector<16x1xf32> to vector<16x768xf32>
    %div3A_50 = arith.divf %add3A_40, %div3A_49 : vector<16x768xf32>
    %swap3A_51 = arith.constant 0 : index
    %swap3A_52 = arith.constant 0 : index
    %swap3A_53 = vector.load %arg7[%swap3A_51, %swap3A_52] : memref<16x768xf32, #tpu.memory_space<vmem>>, vector<16x768xf32>
    tpu.vector_store %arg7[%swap3A_51, %swap3A_52], %div3A_50 {strides = array<i32>} : memref<16x768xf32, #tpu.memory_space<vmem>>, vector<16x768xf32>,
    return
  }
  func.func @transform_0(%arg0: i32) -> (i32, i32) {
    %c0_i32 = arith.constant 0 : i32
    %c0_i32_0 = arith.constant 0 : i32
    %c0_i32_1 = arith.constant 0 : i32
    return %c0_i32, %c0_i32_0 : i32, i32
  }
  func.func @transform_1(%arg0: i32) -> (i32, i32) {
    %c0_i32 = arith.constant 0 : i32
    %c0_i32_0 = arith.constant 0 : i32
    %c0_i32_1 = arith.constant 0 : i32
    return %c0_i32, %c0_i32_0 : i32, i32
  }
  func.func @transform_2(%arg0: i32) -> (i32, i32) {
    %c0_i32 = arith.constant 0 : i32
    %c0_i32_0 = arith.constant 0 : i32
    %c0_i32_1 = arith.constant 0 : i32
    return %c0_i32, %c0_i32_0 : i32, i32
  }
  func.func @transform_3(%arg0: i32) -> (i32, i32) {
    %c0_i32 = arith.constant 0 : i32
    %c0_i32_0 = arith.constant 0 : i32
    %c0_i32_1 = arith.constant 0 : i32
    return %c0_i32, %c0_i32_0 : i32, i32
  }
  func.func @transform_4(%arg0: i32) -> (i32, i32) {
    %c0_i32 = arith.constant 0 : i32
    %c0_i32_0 = arith.constant 0 : i32
    %c0_i32_1 = arith.constant 0 : i32
    return %c0_i32, %c0_i32_0 : i32, i32
  }
  func.func @transform_5(%arg0: i32) -> (i32, i32) {
    %c0_i32 = arith.constant 0 : i32
    %c0_i32_0 = arith.constant 0 : i32
    %c0_i32_1 = arith.constant 0 : i32
    return %c0_i32, %c0_i32_0 : i32, i32
  }
  func.func @transform_6(%arg0: i32) -> (i32, i32) {
    %c0_i32 = arith.constant 0 : i32
    %c0_i32_0 = arith.constant 0 : i32
    %c0_i32_1 = arith.constant 0 : i32
    return %c0_i32, %c0_i32_0 : i32, i32
  }
}

</mosaic_0001>

<sc_bundles>
// kernel: kernel.5.cloned.1.call-start
scs
__scs_entry_jumppad:
0x0: {  	(pc) =	sbr.rel $0x88, $3  }
0x1: {  	(tag) =	ssettag $0x0;
	lr =	simm.s32 $0x1  }
0x2: {  	[smem:$0x3F99] =	sst lr;
	_ =	strace $0xD0000000  }
0x3: {  	_ = 	snop  }
0x4: {  	_ = 	snop  }
0x5: {  	_ = 	snop  }
0x6: {  	_ = 	snop  }
0x7: {  	_ = 	snop  }
__scs_overlays_trampoline_lowered:
0x8: {  	[smem:$0x3FA8] =	sst s0  }
0x9: {  	[smem:$0x3FA9] =	sst s1  }
0xa: {  	[smem:$0x3FAA] =	sst s2  }
0xb: {  	[smem:$0x3FAB] =	sst s3  }
0xc: {  	[smem:$0x3FAC] =	sst s4  }
0xd: {  	[smem:$0x3FAD] =	sst s5  }
0xe: {  	[smem:$0x3FAE] =	sst s6  }
0xf: {  	[smem:$0x3FAF] =	sst s7  }
0x10: {  	[smem:$0x3FB0] =	sst s8  }
0x11: {  	[smem:$0x3FB1] =	sst s9;
	s0 =	simm.s32 @!p0 $0x0  }
0x12: {  	s1 =	sld [smem:$0x3F97];
	s0 =	simm.s32 @p0 $0x1  }
0x13: {  	[smem:$0x3FB2] =	sst s0;
	s0 =	simm.s32 @!p1 $0x0  }
0x14: {  	s2 =	sld [smem:$0x3F96];
	s0 =	simm.s32 @p1 $0x1  }
0x15: {  	[smem:$0x3FB3] =	sst s0;
	s0 =	simm.s32 @!p2 $0x0  }
0x16: {  	s3 =	sld [smem:$0x3FDB];
	s0 =	simm.s32 @p2 $0x1  }
0x17: {  	s4 =	simm.s32 $0x1BF5;
	[smem:$0x3FB5] =	sst s0  }
0x18: {  	s0 =	sld [smem:$0x3F98];
	_ =	swait.ge [sflag:s4], $0x0  }
0x19: {  	s7 =	sld [smem:$0x3F99]  }
0x1a: {  	s8 =	sadd.s32 $0xFFFFE003, lr  }
0x1b: {  	s9 =	sadd.s32 $0xFFFFFEF7, lr;
	s5 =	simm.s32 $0xFFFFFFFF;
	p2 =	slt.u32 s8, $0xFFFFF086  }
0x1c: {  	p1 =	slt.u32 s9, $0xF7A;
	s5 =	simm.s32 @!p2 $0x0  }
0x1d: {  	s5 =	simm.s32 @p1 $0x1;
	p0 =	seq.s32 s7, s2  }
0x1e: {  	s7 =	smul.u32 @!p0 $0xF7A, s2;
	p2 =	seq.s32 @!p0 s5, $0x0  }
0x1f: {  	s9 =	smul.u32 $0xF7A, s1;
	s8 =	simm.s32 @!p0 $0x1BF5;
	p2 =	por !p2, p0  }
0x20: {  	[sflag:s8] =	ssyncset.s32 @!p0 $0xFFFFF086;
	s6 =	sadd.s32 @!p0 s3, s7;
	s7 =	simm.s32 @!p0 $0x108  }
0x21: {  	s3 =	sadd.s32 s3, s9;
	s6 =	sadd.s32 @!p0 $0x88, s6;
	s7 =	simm.s32 @p2 $0x1082  }
0x22: {  	[simem:s7], [sflag:s8] =	dma.local @!p0 [hbm:s6], $0xF7A  }
0x23: {  	s9 =	sor.u32 $0xD0000000, s2;
	s6 =	simm.s32 $0x108;
	_ =	swait.ge @!p0 [sflag:s8], $0x0  }
0x24: {  	s3 =	sadd.s32 $0x88, s3;
	s6 =	simm.s32 @!p1 $0x1082;
	[sflag:s4] =	ssyncset.s32 $0xFFFFF086  }
0x25: {  	[simem:s6], [sflag:s4] =	dma.local [hbm:s3], $0xF7A  }
0x26: {  	[smem:$0x3F99] =	sst s1;
	(tag) =	ssettag s2;
	_ =	strace s9  }
0x27: {  	s1 =	sld [smem:$0x3FA9]  }
0x28: {  	s2 =	sld [smem:$0x3FAA]  }
0x29: {  	s4 =	sld [smem:$0x3FAC]  }
0x2a: {  	p0 =	seq.s32 s5, $0x0;
	s5 =	sld [smem:$0x3FAD]  }
0x2b: {  	s6 =	sld [smem:$0x3FAE]  }
0x2c: {  	s7 =	sld [smem:$0x3FAF]  }
0x2d: {  	s3 =	simm.s32 $0x108;
	s8 =	sld [smem:$0x3FB0]  }
0x2e: {  	s3 =	simm.s32 @!p0 $0x1082;
	s9 =	sld [smem:$0x3FB1]  }
0x2f: {  	lr =	sadd.s32 s0, s3;
	s0 =	sld [smem:$0x3FA8]  }
0x30: {  	s3 =	sld [smem:$0x3FAB]  }
0x31: {  	[smem:$0x3FB4] =	sst s10  }
0x32: {  	s10 =	sld [smem:$0x3FB2];
	_ =	sdelay $0x3  }
0x33: {  	p0 =	seq.s32 s10, $0x1;
	s10 =	sld [smem:$0x3FB4];
	_ =	sdelay $0x3  }
0x34: {  	[smem:$0x3FB4] =	sst s10  }
0x35: {  	s10 =	sld [smem:$0x3FB3];
	_ =	sdelay $0x3  }
0x36: {  	p1 =	seq.s32 s10, $0x1;
	s10 =	sld [smem:$0x3FB4];
	_ =	sdelay $0x3  }
0x37: {  	[smem:$0x3FB4] =	sst s10  }
0x38: {  	s10 =	sld [smem:$0x3FB5]  }
0x39: {  	_ = 	snop;
	(pc) =	sbr.ind lr, $3  }
0x3a: {  	_ = 	snop  }
0x3b: {  	_ = 	snop  }
0x3c: {  	p2 =	seq.s32 s10, $0x1;
	s10 =	sld [smem:$0x3FB4]  }
0x3d: {  	_ =	shalt  }
0x3e: {  	_ =	shalt  }
0x3f: {  	_ =	shalt  }
0x40: {  	_ =	shalt  }
0x41: {  	_ =	shalt  }
0x42: {  	_ =	shalt  }
0x43: {  	_ =	shalt  }
0x44: {  	_ =	shalt  }
0x45: {  	_ =	shalt  }
0x46: {  	_ =	shalt  }
0x47: {  	_ =	shalt  }
0x48: {  	_ =	shalt  }
0x49: {  	_ =	shalt  }
0x4a: {  	_ =	shalt  }
0x4b: {  	_ =	shalt  }
0x4c: {  	_ =	shalt  }
0x4d: {  	_ =	shalt  }
0x4e: {  	_ =	shalt  }
0x4f: {  	_ =	shalt  }
0x50: {  	_ =	shalt  }
0x51: {  	_ =	shalt  }
0x52: {  	_ =	shalt  }
0x53: {  	_ =	shalt  }
0x54: {  	_ =	shalt  }
0x55: {  	_ =	shalt  }
0x56: {  	_ =	shalt  }
0x57: {  	_ =	shalt  }
0x58: {  	_ =	shalt  }
0x59: {  	_ =	shalt  }
0x5a: {  	_ =	shalt  }
0x5b: {  	_ =	shalt  }
0x5c: {  	_ =	shalt  }
0x5d: {  	_ =	shalt  }
0x5e: {  	_ =	shalt  }
0x5f: {  	_ =	shalt  }
0x60: {  	_ =	shalt  }
0x61: {  	_ =	shalt  }
0x62: {  	_ =	shalt  }
0x63: {  	_ =	shalt  }
0x64: {  	_ =	shalt  }
0x65: {  	_ =	shalt  }
0x66: {  	_ =	shalt  }
0x67: {  	_ =	shalt  }
0x68: {  	_ =	shalt  }
0x69: {  	_ =	shalt  }
0x6a: {  	_ =	shalt  }
0x6b: {  	_ =	shalt  }
0x6c: {  	_ =	shalt  }
0x6d: {  	_ =	shalt  }
0x6e: {  	_ =	shalt  }
0x6f: {  	_ =	shalt  }
0x70: {  	_ =	shalt  }
0x71: {  	_ =	shalt  }
0x72: {  	_ =	shalt  }
0x73: {  	_ =	shalt  }
0x74: {  	_ =	shalt  }
0x75: {  	_ =	shalt  }
0x76: {  	_ =	shalt  }
0x77: {  	_ =	shalt  }
0x78: {  	_ =	shalt  }
0x79: {  	_ =	shalt  }
0x7a: {  	_ =	shalt  }
0x7b: {  	_ =	shalt  }
0x7c: {  	_ =	shalt  }
0x7d: {  	_ =	shalt  }
0x7e: {  	_ =	shalt  }
0x7f: {  	_ =	shalt  }
0x80: {  	_ =	shalt  }
0x81: {  	_ =	shalt  }
0x82: {  	_ =	shalt  }
0x83: {  	_ =	shalt  }
0x84: {  	_ =	shalt  }
0x85: {  	_ =	shalt  }
0x86: {  	_ =	shalt  }
0x87: {  	_ =	shalt  }
.Lfunc_end0:
.L_simem_size_0:
called_computation_lowered:
.L_overlay_start_0:
0x88: {  	s2 =	sld [smem:$0x3FD9]  }
0x89: {  	s3 =	sld [smem:$0x3FFE];
	_ =	sdelay $0x1  }
0x8a: {  	s1 =	srdreg.scid  }
0x8b: {  	s0 =	sand.u32 $0x1, s1  }
0x8c: {  	s17 =	sshll.u32 s0, $0xA;
	s2 =	sadd.s32 s3, s2  }
0x8d: {  	s2 =	sadd.s32 s2, s17  }
0x8e: {  	[smem:$0x3FC0] =	sst s2  }
0x8f: {  	_ = 	snop  }
0x90: {  	s2 =	sld [smem:$0x3FC8]  }
0x91: {  	s18 =	sld [smem:$0x3FC7]  }
0x92: {  	s4 =	sld [smem:$0x3FC6];
	(tm) =	ssettm $0x1  }
0x93: {  	s5 =	sld [smem:$0x3FFB];
	_ =	sdelay $0x3  }
0x94: {  	_ =	strace s5  }
0x95: {  	s5 =	sld [smem:$0x3FFC];
	_ =	sdelay $0x3  }
0x96: {  	_ =	strace s5  }
0x97: {  	s5 =	sld [smem:$0x3FFD];
	_ =	sdelay $0x3  }
0x98: {  	_ =	strace s5  }
0x99: {  	_ =	strace $0x8FFFFFFF  }
0x9a: {  	s19 =	sld [smem:$0x3FDB];
	_ =	sdelay $0x1  }
0x9b: {  	s6 =	simm.s32 $_scs_section_size  }
0x9c: {  	s7 =	simm.s32 $_size__tile_overlayer_lowered;
	s8 =	simm.s32 $_tile_overlayer_lowered  }
0x9d: {  	s22 =	simm.s32 $0x1BFF;
	s21 =	sshll.u32 s8, $0x1;
	s5 =	sadd.s32 s6, s19  }
0x9e: {  	s9 =	simm.s32 $0x0;
	s20 =	sshll.u32 s7, $0x1;
	s7 =	sadd.s32 s21, s5  }
0x9f: {  	[timem:s9], [sflag:s22] =	dma.local [hbm:s7], s20  }
0xa0: {  	_ =	swait.ge [sflag:s22], s20  }
0xa1: {  	s6 =	ssub.s32 $0x0, s20;
	[sflag:s22] =	ssyncset.done $0x0  }
0xa2: {  	[sflag:s22] =	ssyncadd.s32 s6;
	_ =	sdelay $0x1  }
0xa3: {  	s23 =	simm.s32 $0x1B8B  }
0xa4: {  	_ =	swait.ge [sflag:s23], $0x1  }
0xa5: {  	[sflag:s23] =	ssyncset.done $0x0  }
0xa6: {  	s25 =	simm.s32 $0x1B8E;
	s24 =	sld [smem:$0x3FFE];
	[sflag:s23] =	ssyncadd.s32 $0xFFFFFFFF  }
0xa7: {  	s26 =	simm.s32 $execute0_lowered;
	[smem:$0x3FD2] =	sst s25  }
0xa8: {  	s7 =	sshll.u32 s26, $0x1;
	_ =	strace $0x80000046;
	[dreg:$0x1] =	wrdreg $0xFFFFFFFF  }
0xa9: {  	s28 =	simm.s32 $_size_execute0_lowered;
	s5 =	sadd.s32 s5, s7;
	[dreg:$0x0] =	wrdreg $0x0  }
0xaa: {  	s7 =	sshll.u32 s28, $0x1;
	[dreg:$0x2] =	wrdreg s5  }
0xab: {  	[dreg:$0x3] =	wrdreg s7  }
0xac: {  	[dreg:$0x4] =	wrdreg $0xC0  }
0xad: {  	_ =	task [dreg:s9], $0x5FFFF  }
0xae: {  	[dreg:$0x1] =	wrdreg $0xFFFFFFFF  }
0xaf: {  	[dreg:$0x0] =	wrdreg $0x60  }
0xb0: {  	[dreg:$0x2] =	wrdreg s2  }
0xb1: {  	[dreg:$0x3] =	wrdreg s18  }
0xb2: {  	[dreg:$0x4] =	wrdreg s4  }
0xb3: {  	[dreg:$0x5] =	wrdreg s24  }
0xb4: {  	[dreg:$0x6] =	wrdreg $0x9  }
0xb5: {  	_ =	task.clear_ibuf [dreg:s9], $0x7FFFF;
	_ =	strace $0x90000046  }
0xb6: {  	s29 =	simm.s32 $0x9;
	_ =	strace $0x80000048  }
0xb7: {  	_ =	swait.ge [sflag:s29], $0x1  }
0xb8: {  	[sflag:s29] =	ssyncadd.s32 $0xFFFFFFFF  }
0xb9: {  	_ =	strace $0x90000048  }
0xba: {  	_ =	sfence  }
0xbb: {  	s30 =	sld [smem:$0x0];
	_ =	sdelay $0x2  }
0xbc: {  	s31 =	sshll.u32 s1, $0xD;
	s1 =	sshrl.u32 s1, $0x2  }
0xbd: {  	s3 =	sand.u32 $0x4000, s31;
	s1 =	sadd.s32 s1, s30  }
0xbe: {  	s0 =	sor.u32 s3, s0;
	s1 =	sshll.u32 s1, $0x11  }
0xbf: {  	s0 =	sor.u32 s1, s0  }
0xc0: {  	s0 =	sadd.s32 $0x8F2B, s0  }
0xc1: {  	[sflag:s0] =	ssyncadd.remote.s32 $0x1  }
0xc2: {  	_ =	sfence.sel $0xFFFF  }
0xc3: {  	[dreg:$0x0] =	wrdreg $0xFFFFFFFF;
	(pc) =	sbr.abs _section_cstart, $3  }
0xc4: {  	[dreg:$0x1] =	wrdreg $0xFFFFFFFF  }
0xc5: {  	_ =	task.clear_ibuf [dreg:s9], $0x2FFFF;
	_ =	strace $0x9FFFFFFF  }
0xc6: {  	(tm) =	ssettm $0x7FFFFFFF  }
0xc7: {  	_ =	shalt  }
tec
execute0_lowered:
.L_overlay_start_1:
0x0: {  	(tag) =	ssettag $0x1  }
0x1: {  	s1 =	rddreg [dreg:$0x0]  }
0x2: {  	s2 =	rddreg [dreg:$0x1]  }
0x3: {  	s0 =	rddreg [dreg:$0x2]  }
0x4: {  	s4 =	rddreg [dreg:$0x3];
	s3 =	simm.s32 $0x0  }
0x5: {  	s5 =	srdreg.scid;
	s10 =	stileid.u32;
	s13 =	simm.s32 $0x3  }
0x6: {  	s19 =	simm.s32 $0x1;
	s20 =	simm.s32 $0x2;
	s29 =	simm.s32 $0xC200  }
0x7: {  	s30 =	simm.s32 $0xC300;
	s31 =	simm.s32 $0xC400;
	s14 =	simm.s32 $0x0  }
0x8: {  	[smem:$0x7FF] =	sst s3;
	s5 =	sand.u32 $0x1, s5;
	s4 =	sadd.s32 $0x1000, s4  }
0x9: {  	s7 =	sshll.u32 s10, $0x7;
	s26 =	sshll.u32 s10, $0xB;
	s6 =	sshll.u32 s5, $0x5  }
0xa: {  	_ =	strace $0x80000047;
	s5 =	ssub.s32 $0x2, s5;
	s8 =	sor.u32 s10, s6  }
0xb: {  	s25 =	sand.u32 $0x380, s7;
	s9 =	sshrl.u32 s5, $0x1;
	s8 =	sshrl.u32 s8, $0x3  }
0xc: {  	v3 =	vlaneseq.u32;
	s6 =	sor.u32 s6, s7;
	s7 =	sadd.s32 $0x200, s1;
	s8 =	smul.u32 $0x1800, s8  }
0xd: {  	v61 =	vand.u32 $0x7, v3;
	s12 =	ssub.s32 s5, s9;
	s24 =	sshrl.u32 s6, $0x3;
	s6 =	sadd.s32 $0x100, s1  }
0xe: {  	v2 =	vshrl.u32 v3, $0x3;
	v63 =	vor.u32 $0x8, v3;
	[tilespmem:$0x1FFD0] =	vst v61;
	s5 =	sadd.s32 s0, s24;
	s12 =	smax.u32 s12, $0x1;
	s9 =	sor.u32 s25, s8  }
0xf: {  	v0 =	vmov s26;
	v62 =	vmul.u32 $0x8, v2;
	[tilespmem:$0x1FFF0] =	vst v63;
	s0 =	simm.s32 $0xC500;
	s8 =	sadd.s32 $0x100, s2;
	s11 =	sadd.s32 $0x3000, s9  }
0x10: {  	[tilespmem:$0x1FFC0] =	vst v0;
	s28 =	sshrl.u32 s9, $0x3;
	s9 =	sadd.s32 $0x200, s2;
	s11 =	sshrl.u32 s11, $0x3  }
0x11: {  	vm0 =	vmmov $0xffff;
	[tilespmem:$0x1FFE0] =	vst v62;
	s10 =	sadd.s32 s4, s28;
	s11 =	sadd.s32 s4, s11;
	s4 =	simm.s32 $0xC600  }
.LBB2_1:
0x12: {  	[tilespmem:s3], [sflag:$0x3] =	stream.linear.gather [hbm4b:s5+s3], $0x20, $0x38;
	[tilespmem:$0xC680] =	vst v63  }
0x13: {  	_ =	swait.ge [sflag:s13], $0x20  }
0x14: {  	[sflag:s13] =	ssyncset.done $0x0  }
0x15: {  	v0 =	vld [tilespmem:$0x1FFC0];
	[sflag:s13] =	ssyncadd.s32 $0xFFFFFFE0  }
0x16: {  	v4 =	vld [tilespmem:$0x0];
	_ =	sdelay $0x4  }
0x17: {  	v1 =	vld [tilespmem:$0x1FFD0];
	v5 =	vadd.s32 v0, v4  }
0x18: {  	v6 =	vshrl.u32 v5, $0x3  }
0x19: {  	v2 =	vld [tilespmem:$0x1FFE0];
	v6 =	vmul.u32 $0x30, v6  }
0x1a: {  	v4 =	vand.u32 $0x7, v4  }
0x1b: {  	v4 =	vor.u32 v4, v6  }
0x1c: {  	v58 =	vld [tilespmem:$0x10];
	v7 =	vperm.xlane v4, v1  }
0x1d: {  	v60 =	vld [tilespmem:$0x1FFF0]  }
0x1e: {  	v7 =	vadd.s32 v2, v7;
	_ =	sdelay $0x2  }
0x1f: {  	v59 =	vadd.s32 v0, v58;
	[tilespmem:$0x0] =	vst v5  }
0x20: {  	s15 =	simm.s32 $0x80;
	[tilespmem:$0x10] =	vst v59;
	v4 =	vperm.xlane v4, v60  }
0x21: {  	[tilespmem:s15], [sflag:$0x1] =	stream.indirect_vreg.gather [hbm4b:s1+s3], $0x80, v7, vm0, $0xb8;
	[tilespmem:$0xC680] =	vst v63  }
0x22: {  	s25 =	simm.s32 $0x880;
	v4 =	vadd.s32 v2, v4  }
0x23: {  	[tilespmem:s25], [sflag:$0x1] =	stream.indirect_vreg.gather [hbm4b:s6+s3], $0x80, v7, vm0, $0xb8;
	[tilespmem:$0xC680] =	vst v63  }
0x24: {  	s26 =	simm.s32 $0x1080  }
0x25: {  	[tilespmem:s26], [sflag:$0x1] =	stream.indirect_vreg.gather [hbm4b:s7+s3], $0x80, v7, vm0, $0xb8;
	[tilespmem:$0xC680] =	vst v63  }
0x26: {  	s28 =	simm.s32 $0x1880  }
0x27: {  	[tilespmem:s28], [sflag:$0x1] =	stream.indirect_vreg.gather [hbm4b:s1+s3], $0x80, v4, vm0, $0xb8;
	[tilespmem:$0xC680] =	vst v63  }
0x28: {  	s16 =	simm.s32 $0x2080  }
0x29: {  	[tilespmem:s16], [sflag:$0x1] =	stream.indirect_vreg.gather [hbm4b:s6+s3], $0x80, v4, vm0, $0xb8;
	[tilespmem:$0xC680] =	vst v63  }
0x2a: {  	s17 =	simm.s32 $0x2880  }
0x2b: {  	[tilespmem:s17], [sflag:$0x1] =	stream.indirect_vreg.gather [hbm4b:s7+s3], $0x80, v4, vm0, $0xb8;
	[tilespmem:$0xC680] =	vst v63  }
0x2c: {  	v4 =	vld [tilespmem:$0x10];
	_ =	sdelay $0x4  }
0x2d: {  	v61 =	vshrl.u32 v4, $0x3  }
0x2e: {  	v5 =	vmul.u32 $0x30, v61  }
0x2f: {  	v4 =	vand.u32 $0x7, v4  }
0x30: {  	v4 =	vor.u32 v4, v5  }
0x31: {  	v5 =	vperm.xlane v4, v1;
	_ =	sdelay $0x1  }
0x32: {  	v5 =	vadd.s32 v2, v5;
	_ =	sdelay $0x3  }
0x33: {  	s18 =	simm.s32 $0x3080;
	v4 =	vperm.xlane v4, v60  }
0x34: {  	[tilespmem:s18], [sflag:$0x1] =	stream.indirect_vreg.gather [hbm4b:s1+s3], $0x80, v5, vm0, $0xb8;
	[tilespmem:$0xC680] =	vst v63  }
0x35: {  	s21 =	simm.s32 $0x3880;
	v4 =	vadd.s32 v2, v4  }
0x36: {  	[tilespmem:s21], [sflag:$0x1] =	stream.indirect_vreg.gather [hbm4b:s6+s3], $0x80, v5, vm0, $0xb8;
	[tilespmem:$0xC680] =	vst v63  }
0x37: {  	s22 =	simm.s32 $0x4080  }
0x38: {  	[tilespmem:s22], [sflag:$0x1] =	stream.indirect_vreg.gather [hbm4b:s7+s3], $0x80, v5, vm0, $0xb8;
	[tilespmem:$0xC680] =	vst v63  }
0x39: {  	s23 =	simm.s32 $0x4880  }
0x3a: {  	[tilespmem:s23], [sflag:$0x1] =	stream.indirect_vreg.gather [hbm4b:s1+s3], $0x80, v4, vm0, $0xb8;
	[tilespmem:$0xC680] =	vst v63  }
0x3b: {  	s24 =	simm.s32 $0x5080  }
0x3c: {  	[tilespmem:s24], [sflag:$0x1] =	stream.indirect_vreg.gather [hbm4b:s6+s3], $0x80, v4, vm0, $0xb8;
	[tilespmem:$0xC680] =	vst v63  }
0x3d: {  	s25 =	simm.s32 $0x5880  }
0x3e: {  	[tilespmem:s25], [sflag:$0x1] =	stream.indirect_vreg.gather [hbm4b:s7+s3], $0x80, v4, vm0, $0xb8;
	[tilespmem:$0xC680] =	vst v63  }
0x3f: {  	v4 =	vld [tilespmem:$0x0];
	_ =	sdelay $0x4  }
0x40: {  	v62 =	vshrl.u32 v4, $0x3  }
0x41: {  	v5 =	vmul.u32 $0x30, v62  }
0x42: {  	v4 =	vand.u32 $0x7, v4  }
0x43: {  	v4 =	vor.u32 v4, v5  }
0x44: {  	v5 =	vperm.xlane v4, v1;
	_ =	sdelay $0x1  }
0x45: {  	v5 =	vadd.s32 v2, v5;
	_ =	sdelay $0x3  }
0x46: {  	s26 =	simm.s32 $0x6080;
	v4 =	vperm.xlane v4, v60  }
0x47: {  	[tilespmem:s26], [sflag:$0x2] =	stream.indirect_vreg.gather [hbm4b:s2+s3], $0x80, v5, vm0, $0xb8;
	[tilespmem:$0xC680] =	vst v63  }
0x48: {  	s28 =	simm.s32 $0x6880;
	v4 =	vadd.s32 v2, v4  }
0x49: {  	[tilespmem:s28], [sflag:$0x2] =	stream.indirect_vreg.gather [hbm4b:s8+s3], $0x80, v5, vm0, $0xb8;
	[tilespmem:$0xC680] =	vst v63  }
0x4a: {  	s16 =	simm.s32 $0x7080  }
0x4b: {  	[tilespmem:s16], [sflag:$0x2] =	stream.indirect_vreg.gather [hbm4b:s9+s3], $0x80, v5, vm0, $0xb8;
	[tilespmem:$0xC680] =	vst v63  }
0x4c: {  	s17 =	simm.s32 $0x7880  }
0x4d: {  	[tilespmem:s17], [sflag:$0x2] =	stream.indirect_vreg.gather [hbm4b:s2+s3], $0x80, v4, vm0, $0xb8;
	[tilespmem:$0xC680] =	vst v63  }
0x4e: {  	s18 =	simm.s32 $0x8080  }
0x4f: {  	[tilespmem:s18], [sflag:$0x2] =	stream.indirect_vreg.gather [hbm4b:s8+s3], $0x80, v4, vm0, $0xb8;
	[tilespmem:$0xC680] =	vst v63  }
0x50: {  	s21 =	simm.s32 $0x8880  }
0x51: {  	[tilespmem:s21], [sflag:$0x2] =	stream.indirect_vreg.gather [hbm4b:s9+s3], $0x80, v4, vm0, $0xb8;
	[tilespmem:$0xC680] =	vst v63  }
0x52: {  	v4 =	vld [tilespmem:$0x10];
	_ =	sdelay $0x4  }
0x53: {  	v63 =	vshrl.u32 v4, $0x3  }
0x54: {  	v5 =	vmul.u32 $0x30, v63  }
0x55: {  	v4 =	vand.u32 $0x7, v4  }
0x56: {  	v4 =	vor.u32 v4, v5  }
0x57: {  	v5 =	vperm.xlane v4, v1;
	_ =	sdelay $0x1  }
0x58: {  	v5 =	vadd.s32 v2, v5;
	_ =	sdelay $0x3  }
0x59: {  	s22 =	simm.s32 $0x9080;
	v4 =	vperm.xlane v4, v60  }
0x5a: {  	[tilespmem:s22], [sflag:$0x2] =	stream.indirect_vreg.gather [hbm4b:s2+s3], $0x80, v5, vm0, $0xb8;
	[tilespmem:$0xC680] =	vst v63  }
0x5b: {  	s23 =	simm.s32 $0x9880;
	v4 =	vadd.s32 v2, v4  }
0x5c: {  	[tilespmem:s23], [sflag:$0x2] =	stream.indirect_vreg.gather [hbm4b:s8+s3], $0x80, v5, vm0, $0xb8;
	[tilespmem:$0xC680] =	vst v63  }
0x5d: {  	s24 =	simm.s32 $0xA080  }
0x5e: {  	[tilespmem:s24], [sflag:$0x2] =	stream.indirect_vreg.gather [hbm4b:s9+s3], $0x80, v5, vm0, $0xb8;
	[tilespmem:$0xC680] =	vst v63  }
0x5f: {  	s25 =	simm.s32 $0xA880  }
0x60: {  	[tilespmem:s25], [sflag:$0x2] =	stream.indirect_vreg.gather [hbm4b:s2+s3], $0x80, v4, vm0, $0xb8;
	[tilespmem:$0xC680] =	vst v63  }
0x61: {  	s26 =	simm.s32 $0xB080  }
0x62: {  	[tilespmem:s26], [sflag:$0x2] =	stream.indirect_vreg.gather [hbm4b:s8+s3], $0x80, v4, vm0, $0xb8;
	[tilespmem:$0xC680] =	vst v63  }
0x63: {  	s28 =	simm.s32 $0xB880  }
0x64: {  	[tilespmem:s28], [sflag:$0x2] =	stream.indirect_vreg.gather [hbm4b:s9+s3], $0x80, v4, vm0, $0xb8;
	[tilespmem:$0xC680] =	vst v63  }
0x65: {  	_ =	swait.ge [sflag:s19], $0x6000  }
0x66: {  	[sflag:s19] =	ssyncset.done $0x0  }
0x67: {  	[sflag:s19] =	ssyncadd.s32 $0xFFFFA000  }
0x68: {  	_ =	swait.ge [sflag:s20], $0x6000  }
0x69: {  	[sflag:s20] =	ssyncset.done $0x0  }
0x6a: {  	s15 =	simm.s32 $0x0;
	[sflag:s20] =	ssyncadd.s32 $0xFFFFA000  }
.LBB2_2:
0x6b: {  	s16 =	simm.s32 $0x0  }
0x6c: {  	s17 =	smul.u32 $0x6000, s16;
	_ =	sdelay $0x1  }
0x6d: {  	s16 =	sshll.u32 s15, $0xB;
	s18 =	sshra.s32 s17, $0x2  }
0x6e: {  	s21 =	simm.s32 $0x0;
	s17 =	sor.u32 $0x400, s16;
	s22 =	sadd.s32 $0x6080, s18  }
0x6f: {  	s24 =	sand.u32 $0x380, s21;
	s23 =	sor.u32 $0x80, s18;
	s28 =	sadd.s32 s17, s22  }
0x70: {  	s25 =	sadd.s32 s16, s23;
	s18 =	sadd.s32 s24, s28  }
0x71: {  	s25 =	sadd.s32 s24, s25;
	v4 =	vld [tilespmem:s18+$0x70]  }
0x72: {  	v5 =	vld [tilespmem:s25+$0x0]  }
0x73: {  	v6 =	vld [tilespmem:s25+$0x10]  }
0x74: {  	v7 =	vld [tilespmem:s25+$0x20]  }
0x75: {  	v8 =	vld [tilespmem:s25+$0x30]  }
0x76: {  	v9 =	vld [tilespmem:s25+$0x40]  }
0x77: {  	v10 =	vld [tilespmem:s25+$0x50]  }
0x78: {  	s23 =	sadd.s32 s17, s23;
	v11 =	vld [tilespmem:s25+$0x60]  }
0x79: {  	s23 =	sadd.s32 s24, s23;
	v12 =	vld [tilespmem:s25+$0x70]  }
0x7a: {  	v13 =	vld [tilespmem:s23+$0x0]  }
0x7b: {  	v16 =	vld [tilespmem:s23+$0x10]  }
0x7c: {  	v18 =	vld [tilespmem:s23+$0x20]  }
0x7d: {  	v20 =	vld [tilespmem:s23+$0x30]  }
0x7e: {  	v15 =	vimm.f32 $0.0e+00;
	v22 =	vld [tilespmem:s23+$0x40]  }
0x7f: {  	s22 =	sadd.s32 s16, s22;
	v24 =	vld [tilespmem:s23+$0x50];
	v4 =	vadd.f32 v4, v15  }
0x80: {  	s22 =	sadd.s32 s24, s22;
	v26 =	vld [tilespmem:s23+$0x60];
	v29 =	vadd.f32 v5, v15;
	v27 =	vadd.f32 v6, v15  }
0x81: {  	v28 =	vld [tilespmem:s22+$0x0];
	v25 =	vadd.f32 v7, v15;
	v23 =	vadd.f32 v8, v15  }
0x82: {  	v30 =	vld [tilespmem:s22+$0x10];
	v21 =	vadd.f32 v9, v15;
	v19 =	vadd.f32 v10, v15  }
0x83: {  	v31 =	vld [tilespmem:s22+$0x20];
	v17 =	vadd.f32 v11, v15;
	v14 =	vadd.f32 v12, v15  }
0x84: {  	v12 =	vadd.f32 v13, v15;
	v11 =	vadd.f32 v16, v15  }
0x85: {  	v10 =	vadd.f32 v18, v15;
	v9 =	vadd.f32 v20, v15  }
0x86: {  	v5 =	vld [tilespmem:s23+$0x70];
	v8 =	vadd.f32 v22, v15;
	v7 =	vadd.f32 v24, v15  }
0x87: {  	v13 =	vld [tilespmem:s22+$0x30];
	v6 =	vadd.f32 v26, v15;
	v35 =	vadd.f32 v28, v15  }
0x88: {  	v40 =	vld [tilespmem:s22+$0x40];
	v34 =	vadd.f32 v30, v15;
	v33 =	vadd.f32 v31, v15  }
0x89: {  	v39 =	vld [tilespmem:s22+$0x50];
	v31 =	vimm.f32 $0.0e+00;
	v30 =	vimm.f32 $0.0e+00;
	v28 =	vimm.f32 $0.0e+00  }
0x8a: {  	v38 =	vld [tilespmem:s22+$0x60];
	v26 =	vimm.f32 $0.0e+00;
	v24 =	vimm.f32 $0.0e+00;
	v22 =	vimm.f32 $0.0e+00  }
0x8b: {  	v37 =	vld [tilespmem:s22+$0x70];
	v20 =	vimm.f32 $0.0e+00;
	v18 =	vimm.f32 $0.0e+00;
	v16 =	vimm.f32 $0.0e+00  }
0x8c: {  	v36 =	vld [tilespmem:s18+$0x0];
	s23 =	simm.s32 $0x0;
	s22 =	simm.s32 $0x2;
	v5 =	vadd.f32 v5, v15;
	v32 =	vadd.f32 v13, v15;
	v13 =	vimm.f32 $0.0e+00  }
.LBB2_3:
0x8d: {  	p0 =	sne.s32 s22, $0x1F;
	s23 =	smul.u32 $0x6000, s23;
	v15 =	vadd.f32 v40, v15;
	v40 =	vld [tilespmem:s18+$0x10]  }
0x8e: {  	v31 =	vadd.f32 v39, v31;
	v39 =	vld [tilespmem:s18+$0x20]  }
0x8f: {  	s23 =	sshra.s32 s23, $0x2;
	v30 =	vadd.f32 v38, v30;
	v38 =	vld [tilespmem:s18+$0x30]  }
0x90: {  	s21 =	sadd.s32 $0x80, s21;
	s24 =	sor.u32 $0x80, s23;
	s23 =	sadd.s32 $0x6080, s23;
	v28 =	vadd.f32 v37, v28;
	v37 =	vld [tilespmem:s18+$0x40]  }
0x91: {  	s25 =	sand.u32 $0x380, s21;
	s26 =	sadd.s32 s16, s24;
	s28 =	sadd.s32 s17, s23;
	v26 =	vadd.f32 v36, v26;
	v36 =	vld [tilespmem:s18+$0x50]  }
0x92: {  	s24 =	sadd.s32 s17, s24;
	s23 =	sadd.s32 s16, s23;
	v24 =	vadd.f32 v40, v24;
	v40 =	vld [tilespmem:s18+$0x60];
	s18 =	sadd.s32 s25, s28  }
0x93: {  	s26 =	sadd.s32 s25, s26;
	s24 =	sadd.s32 s25, s24;
	s23 =	sadd.s32 s25, s23;
	v41 =	vld [tilespmem:s18+$0x70];
	v22 =	vadd.f32 v39, v22  }
0x94: {  	v39 =	vld [tilespmem:s26+$0x0];
	v20 =	vadd.f32 v38, v20  }
0x95: {  	v38 =	vld [tilespmem:s26+$0x10];
	v18 =	vadd.f32 v37, v18  }
0x96: {  	v37 =	vld [tilespmem:s26+$0x20];
	v16 =	vadd.f32 v36, v16  }
0x97: {  	v36 =	vld [tilespmem:s26+$0x30];
	v13 =	vadd.f32 v40, v13  }
0x98: {  	v40 =	vld [tilespmem:s26+$0x40];
	v4 =	vadd.f32 v41, v4  }
0x99: {  	v29 =	vadd.f32 v39, v29;
	v39 =	vld [tilespmem:s26+$0x50]  }
0x9a: {  	v27 =	vadd.f32 v38, v27;
	v38 =	vld [tilespmem:s26+$0x60]  }
0x9b: {  	v25 =	vadd.f32 v37, v25;
	v37 =	vld [tilespmem:s26+$0x70]  }
0x9c: {  	v23 =	vadd.f32 v36, v23;
	v36 =	vld [tilespmem:s24+$0x0]  }
0x9d: {  	v21 =	vadd.f32 v40, v21;
	v40 =	vld [tilespmem:s24+$0x10]  }
0x9e: {  	v19 =	vadd.f32 v39, v19;
	v39 =	vld [tilespmem:s24+$0x20]  }
0x9f: {  	v17 =	vadd.f32 v38, v17;
	v38 =	vld [tilespmem:s24+$0x30]  }
0xa0: {  	v14 =	vadd.f32 v37, v14;
	v37 =	vld [tilespmem:s24+$0x40]  }
0xa1: {  	v12 =	vadd.f32 v36, v12;
	v36 =	vld [tilespmem:s24+$0x50]  }
0xa2: {  	v11 =	vadd.f32 v40, v11;
	v40 =	vld [tilespmem:s24+$0x60]  }
0xa3: {  	v10 =	vadd.f32 v39, v10;
	v39 =	vld [tilespmem:s24+$0x70]  }
0xa4: {  	v9 =	vadd.f32 v38, v9;
	v38 =	vld [tilespmem:s23+$0x0]  }
0xa5: {  	v8 =	vadd.f32 v37, v8;
	v37 =	vld [tilespmem:s23+$0x10]  }
0xa6: {  	v7 =	vadd.f32 v36, v7;
	v36 =	vld [tilespmem:s23+$0x20]  }
0xa7: {  	v6 =	vadd.f32 v40, v6;
	v41 =	vld [tilespmem:s23+$0x30]  }
.Ltmp0:
0xa8: {  	v5 =	vadd.f32 v39, v5;
	v40 =	vld [tilespmem:s23+$0x40];
	(pc) =	sbr.rel @p0 .LBB2_3-.Ltmp0, $4  }
0xa9: {  	v35 =	vadd.f32 v38, v35;
	v39 =	vld [tilespmem:s23+$0x50]  }
0xaa: {  	v34 =	vadd.f32 v37, v34;
	v38 =	vld [tilespmem:s23+$0x60]  }
0xab: {  	v33 =	vadd.f32 v36, v33;
	v37 =	vld [tilespmem:s23+$0x70]  }
0xac: {  	s23 =	sshrl.u32 s22, $0x3;
	s22 =	sadd.s32 $0x1, s22;
	v32 =	vadd.f32 v41, v32;
	v36 =	vld [tilespmem:s18+$0x0]  }
0xad: {  	s22 =	smul.u32 $0x6000, s23;
	v0 =	vld [tilespmem:s18+$0x10]  }
0xae: {  	v50 =	vld [tilespmem:s18+$0x20]  }
0xaf: {  	v51 =	vld [tilespmem:s18+$0x30];
	s22 =	sshra.s32 s22, $0x2  }
0xb0: {  	v52 =	vld [tilespmem:s18+$0x40];
	s21 =	sadd.s32 $0x80, s21;
	s26 =	sadd.s32 $0x6080, s22  }
0xb1: {  	v53 =	vld [tilespmem:s18+$0x50];
	s21 =	sand.u32 $0x380, s21;
	s22 =	sor.u32 $0x80, s22;
	s24 =	sadd.s32 s17, s26  }
0xb2: {  	v54 =	vld [tilespmem:s18+$0x60];
	s25 =	sadd.s32 s16, s22;
	s24 =	sadd.s32 s21, s24  }
0xb3: {  	s28 =	sadd.s32 s21, s25;
	v55 =	vld [tilespmem:s24+$0x70]  }
0xb4: {  	v48 =	vld [tilespmem:s28+$0x0]  }
0xb5: {  	v49 =	vld [tilespmem:s28+$0x10]  }
0xb6: {  	[tilespmem:$0x1FF40] =	vst v50;
	v50 =	vld [tilespmem:s28+$0x20]  }
0xb7: {  	[tilespmem:$0x1FF50] =	vst v51;
	v51 =	vld [tilespmem:s28+$0x30]  }
0xb8: {  	[tilespmem:$0x1FF60] =	vst v52;
	v52 =	vld [tilespmem:s28+$0x40]  }
0xb9: {  	s26 =	sadd.s32 s16, s26;
	[tilespmem:$0x1FF70] =	vst v53;
	v53 =	vld [tilespmem:s28+$0x50]  }
0xba: {  	[tilespmem:$0x1FF80] =	vst v54;
	s18 =	sadd.s32 s21, s26;
	v54 =	vld [tilespmem:s28+$0x60]  }
0xbb: {  	[tilespmem:$0x1FF30] =	vst v0;
	v0 =	vld [tilespmem:s18+$0x0]  }
0xbc: {  	v1 =	vld [tilespmem:s18+$0x10]  }
0xbd: {  	v3 =	vld [tilespmem:s18+$0x20]  }
0xbe: {  	v2 =	vld [tilespmem:s18+$0x30]  }
0xbf: {  	v41 =	vld [tilespmem:s18+$0x40]  }
0xc0: {  	v42 =	vld [tilespmem:s18+$0x50]  }
0xc1: {  	v43 =	vld [tilespmem:s18+$0x60]  }
0xc2: {  	v44 =	vld [tilespmem:s18+$0x70]  }
0xc3: {  	v45 =	vld [tilespmem:s24+$0x0]  }
0xc4: {  	s25 =	sadd.s32 s17, s22;
	v46 =	vld [tilespmem:s24+$0x10]  }
0xc5: {  	s17 =	sadd.s32 s21, s25;
	v47 =	vld [tilespmem:s24+$0x20]  }
0xc6: {  	v57 =	vld [tilespmem:s17+$0x0]  }
0xc7: {  	v59 =	vld [tilespmem:s17+$0x10]  }
0xc8: {  	v60 =	vld [tilespmem:s17+$0x20]  }
0xc9: {  	v61 =	vld [tilespmem:s17+$0x30]  }
0xca: {  	v62 =	vld [tilespmem:s17+$0x40]  }
0xcb: {  	v56 =	vld [tilespmem:s17+$0x60]  }
0xcc: {  	v58 =	vld [tilespmem:s17+$0x70]  }
0xcd: {  	v63 =	vld [tilespmem:s17+$0x50]  }
0xce: {  	[tilespmem:$0x1FFB0] =	vst v55;
	v55 =	vld [tilespmem:s28+$0x70]  }
0xcf: {  	v29 =	vadd.f32 v48, v29;
	v48 =	vld [tilespmem:s24+$0x50]  }
0xd0: {  	v0 =	vadd.f32 v0, v35;
	v35 =	vld [tilespmem:s24+$0x60];
	[tilespmem:$0x1FF90] =	vst v56  }
0xd1: {  	s28 =	sshrl.u32 s16, $0x2;
	[tilespmem:$0x1FFA0] =	vst v58;
	v56 =	vld [tilespmem:s24+$0x30]  }
0xd2: {  	v27 =	vadd.f32 v49, v27;
	v58 =	vld [tilespmem:s24+$0x40];
	[tilespmem:s28+$0xC080] =	vst v29  }
0xd3: {  	v1 =	vadd.f32 v1, v34;
	[tilespmem:s28+$0xC100] =	vst v0  }
0xd4: {  	v25 =	vadd.f32 v50, v25;
	[tilespmem:s28+$0xC090] =	vst v27  }
0xd5: {  	v3 =	vadd.f32 v3, v33;
	[tilespmem:s28+$0xC110] =	vst v1  }
0xd6: {  	v2 =	vadd.f32 v2, v32;
	[tilespmem:s28+$0xC0A0] =	vst v25  }
0xd7: {  	v32 =	vadd.f32 v52, v21;
	[tilespmem:s28+$0xC120] =	vst v3  }
0xd8: {  	v34 =	vadd.f32 v53, v19;
	[tilespmem:s28+$0xC130] =	vst v2  }
0xd9: {  	v50 =	vadd.f32 v59, v11;
	[tilespmem:s28+$0xC0C0] =	vst v32  }
0xda: {  	v33 =	vadd.f32 v39, v31;
	v52 =	vadd.f32 v60, v10;
	[tilespmem:s28+$0xC0D0] =	vst v34  }
0xdb: {  	v27 =	vadd.f32 v51, v23;
	[tilespmem:s28+$0xC190] =	vst v50  }
0xdc: {  	v39 =	vadd.f32 v38, v30;
	v1 =	vadd.f32 v42, v33;
	[tilespmem:s28+$0xC1A0] =	vst v52  }
0xdd: {  	v29 =	vadd.f32 v40, v15;
	v40 =	vadd.f32 v54, v17;
	[tilespmem:s28+$0xC0B0] =	vst v27  }
0xde: {  	v49 =	vld [tilespmem:$0x1FF30];
	v3 =	vadd.f32 v43, v39;
	[tilespmem:s28+$0xC150] =	vst v1  }
0xdf: {  	v51 =	vld [tilespmem:$0x1FF40];
	v54 =	vadd.f32 v61, v9;
	[tilespmem:s28+$0xC0E0] =	vst v40  }
0xe0: {  	v53 =	vld [tilespmem:$0x1FF50];
	v0 =	vadd.f32 v41, v29;
	v41 =	vadd.f32 v37, v28;
	[tilespmem:s28+$0xC160] =	vst v3  }
0xe1: {  	[tilespmem:s28+$0xC1B0] =	vst v54;
	v42 =	vadd.f32 v55, v14  }
0xe2: {  	v43 =	vadd.f32 v36, v26;
	v55 =	vld [tilespmem:$0x1FF60];
	[tilespmem:s28+$0xC140] =	vst v0;
	v2 =	vadd.f32 v44, v41  }
0xe3: {  	v1 =	vadd.f32 v49, v24;
	v44 =	vadd.f32 v57, v12;
	[tilespmem:s28+$0xC0F0] =	vst v42  }
0xe4: {  	v0 =	vadd.f32 v45, v43;
	v57 =	vld [tilespmem:$0x1FF70];
	v3 =	vadd.f32 v51, v22;
	[tilespmem:s28+$0xC170] =	vst v2  }
0xe5: {  	v59 =	vld [tilespmem:$0x1FF80];
	v1 =	vadd.f32 v46, v1;
	[tilespmem:s28+$0xC180] =	vst v44;
	v2 =	vadd.f32 v53, v20  }
0xe6: {  	[tilespmem:s28+$0xC200] =	vst v0;
	v3 =	vadd.f32 v47, v3  }
0xe7: {  	[tilespmem:s28+$0xC210] =	vst v1;
	v0 =	vadd.f32 v55, v18;
	v2 =	vadd.f32 v56, v2  }
0xe8: {  	v60 =	vld [tilespmem:$0x1FF90];
	v56 =	vadd.f32 v62, v8;
	[tilespmem:s28+$0xC220] =	vst v3  }
0xe9: {  	v62 =	vld [tilespmem:$0x1FFA0];
	v1 =	vadd.f32 v57, v16;
	v0 =	vadd.f32 v58, v0;
	[tilespmem:s28+$0xC230] =	vst v2  }
0xea: {  	v3 =	vadd.f32 v59, v13;
	v58 =	vadd.f32 v63, v7;
	[tilespmem:s28+$0xC1C0] =	vst v56;
	v63 =	vld [tilespmem:$0x1FFB0]  }
0xeb: {  	s15 =	sadd.s32 $0x1, s15;
	v1 =	vadd.f32 v48, v1;
	[tilespmem:s28+$0xC240] =	vst v0  }
0xec: {  	p0 =	sne.s32 s15, $0x3;
	v61 =	vadd.f32 v35, v3;
	[tilespmem:s28+$0xC1D0] =	vst v58  }
.Ltmp1:
0xed: {  	v0 =	vadd.f32 v60, v6;
	[tilespmem:s28+$0xC250] =	vst v1;
	(pc) =	sbr.rel @p0 .LBB2_2-.Ltmp1, $4  }
0xee: {  	v1 =	vadd.f32 v62, v5;
	[tilespmem:s28+$0xC260] =	vst v61  }
0xef: {  	[tilespmem:s28+$0xC1E0] =	vst v0;
	v0 =	vadd.f32 v63, v4  }
0xf0: {  	[tilespmem:s28+$0xC1F0] =	vst v1  }
0xf1: {  	[tilespmem:s28+$0xC270] =	vst v0  }
0xf2: {  	s15 =	simm.s32 $0xC080  }
0xf3: {  	[hbm4b:s10+s3] =	stream.linear.scatter [tilespmem:s15], [sflag:$0x3], $0x80, $0x38;
	[tilespmem:$0xC680] =	vst v63  }
0xf4: {  	s23 =	sadd.s32 $0x80, s10;
	s16 =	simm.s32 $0xC180  }
0xf5: {  	[hbm4b:s23+s3] =	stream.linear.scatter [tilespmem:s16], [sflag:$0x3], $0x80, $0x38;
	[tilespmem:$0xC680] =	vst v63  }
0xf6: {  	s24 =	sadd.s32 $0x100, s10;
	s25 =	simm.s32 $0xC280  }
0xf7: {  	[hbm4b:s24+s3] =	stream.linear.scatter [tilespmem:s25], [sflag:$0x3], $0x80, $0x38;
	[tilespmem:$0xC680] =	vst v63  }
0xf8: {  	s26 =	sadd.s32 $0x180, s10;
	s28 =	simm.s32 $0xC380  }
0xf9: {  	[hbm4b:s26+s3] =	stream.linear.scatter [tilespmem:s28], [sflag:$0x3], $0x80, $0x38;
	[tilespmem:$0xC680] =	vst v63  }
0xfa: {  	s17 =	simm.s32 $0xC480;
	s16 =	sadd.s32 $0x200, s10  }
0xfb: {  	[hbm4b:s16+s3] =	stream.linear.scatter [tilespmem:s17], [sflag:$0x3], $0x80, $0x38;
	[tilespmem:$0xC680] =	vst v63  }
0xfc: {  	s18 =	sadd.s32 $0x280, s10;
	s21 =	simm.s32 $0xC580  }
0xfd: {  	[hbm4b:s18+s3] =	stream.linear.scatter [tilespmem:s21], [sflag:$0x3], $0x80, $0x38;
	[tilespmem:$0xC680] =	vst v63  }
0xfe: {  	_ =	swait.ge [sflag:s13], $0x300  }
0xff: {  	[sflag:s13] =	ssyncset.done $0x0  }
0x100: {  	s22 =	simm.s32 $0xC100;
	[sflag:s13] =	ssyncadd.s32 $0xFFFFFD00  }
0x101: {  	[hbm4b:s11+s3] =	stream.linear.scatter [tilespmem:s22], [sflag:$0x3], $0x80, $0x38;
	[tilespmem:$0xC680] =	vst v63  }
0x102: {  	s23 =	sadd.s32 $0x80, s11  }
0x103: {  	[hbm4b:s23+s3] =	stream.linear.scatter [tilespmem:s29], [sflag:$0x3], $0x80, $0x38;
	[tilespmem:$0xC680] =	vst v63  }
0x104: {  	s24 =	sadd.s32 $0x100, s11  }
0x105: {  	[hbm4b:s24+s3] =	stream.linear.scatter [tilespmem:s30], [sflag:$0x3], $0x80, $0x38;
	[tilespmem:$0xC680] =	vst v63  }
0x106: {  	s14 =	sadd.s32 $0x1, s14;
	s25 =	sadd.s32 $0x180, s11  }
0x107: {  	[hbm4b:s25+s3] =	stream.linear.scatter [tilespmem:s31], [sflag:$0x3], $0x80, $0x38;
	[tilespmem:$0xC680] =	vst v63  }
0x108: {  	p0 =	sne.s32 s14, s12;
	s26 =	sadd.s32 $0x200, s11  }
0x109: {  	[hbm4b:s26+s3] =	stream.linear.scatter [tilespmem:s0], [sflag:$0x3], $0x80, $0x38;
	[tilespmem:$0xC680] =	vst v63  }
.Ltmp2:
0x10a: {  	s28 =	sadd.s32 $0x280, s11;
	(pc) =	sbr.rel @p0 .LBB2_1-.Ltmp2, $4  }
0x10b: {  	[hbm4b:s28+s3] =	stream.linear.scatter [tilespmem:s4], [sflag:$0x3], $0x80, $0x38;
	[tilespmem:$0xC680] =	vst v63  }
0x10c: {  	_ =	swait.ge [sflag:s13], $0x300  }
0x10d: {  	[sflag:s13] =	ssyncset.done $0x0  }
0x10e: {  	[sflag:s13] =	ssyncadd.s32 $0xFFFFFD00  }
0x10f: {  	_ =	sfence.sel $0x180000  }
0x110: {  	[bflag:$0x0] =	sbarrier.arrive $0xFFFF  }
0x111: {  	_ =	strace $0x90000047  }
0x112: {  	s0 =	stileid.u32;
	[bflag:$0x2] =	sbarrier.arrive $0xFFFF  }
0x113: {  	p0 =	sne.s32 s0, $0x0;
	s0 =	rddreg [dreg:$0x4]  }
0x114: {  	s0 =	sadd.s32 @!p0 $0x100000, s0  }
0x115: {  	[sflag:s0] =	ssyncadd.tile.s32 @!p0 $0x1;
	_ =	shalt  }
.Lfunc_end2:
_tile_overlayer_lowered:
.L_overlay_start_2:
0x116: {  	(tag) =	ssettag $0x2  }
0x117: {  	s0 =	rddreg [dreg:$0x0];
	s2 =	stileid.u32  }
0x118: {  	s1 =	rddreg [dreg:$0x1];
	p0 =	sne.s32 s2, $0x0  }
0x119: {  	s3 =	rddreg [dreg:$0x2];
	[bflag:$0x3] =	sbarrier.arrive $0xFFFF;
	s2 =	simm.s32 @!p0 $0x1C03  }
0x11a: {  	[timem:s3], [sflag:s2] =	dma.local @!p0 [hbm:s0], s1  }
0x11b: {  	s0 =	simm.s32 @!p0 $0x3  }
0x11c: {  	_ =	swait.ge @!p0 [sflag:s0], s1  }
0x11d: {  	s1 =	ssub.s32 @!p0 $0x0, s1;
	[sflag:s0] =	ssyncset.done @!p0 $0x0  }
0x11e: {  	[sflag:s0] =	ssyncadd.s32 @!p0 s1  }
0x11f: {  	[bflag:$0x3] =	sbarrier.arrive $0xFFFF  }
0x120: {  	_ =	shalt  }

</sc_bundles>
